<compile_context>
chip_gen: v7x
topology: tpu7x:2x2x1
jax: 0.10.2.dev20260603
libtpu: 0.0.44.dev20260713+nightly
codegen_flags: <defaults>
</compile_context>

<pallas_src>
import functools

import jax
import jax.numpy as jnp
from jax import lax
from jax.experimental import pallas as pl
from jax.experimental.pallas import tpu as pltpu
from jax.experimental.pallas import tpu_sc as plsc

N = 10000
D = 256
E = 160000
H = D // 2
NC = 2
NS = 16
L = 16
CH = 112
NCHUNK = 90
EPT = CH * NCHUNK
EPAD = NS * EPT
PADR = 16
NZT = 10
RPT = N // NZT


@functools.cache
def _make_edge_scatter():
    return functools.partial(
        pl.kernel,
        out_type=jax.ShapeDtypeStruct((NC, N, H), jnp.float32),
        mesh=plsc.VectorSubcoreMesh(
            core_axis_name="c", subcore_axis_name="s",
            num_cores=NC, num_subcores=NS,
        ),
        scratch_types=[
            pltpu.VMEM_SHARED((N + PADR, H), jnp.float32),
            pltpu.VMEM((CH,), jnp.int32),
            pltpu.VMEM((CH,), jnp.int32),
            pltpu.VMEM((CH,), jnp.int32),
            pltpu.VMEM((CH,), jnp.int32),
            pltpu.VMEM((CH, H), jnp.float32),
            pltpu.VMEM((CH, H), jnp.float32),
            pltpu.SemaphoreType.DMA,
            pltpu.SemaphoreType.DMA,
            pltpu.SemaphoreType.DMA,
            pltpu.SemaphoreType.DMA,
        ],
    )(_edge_scatter_body)


def _edge_scatter_body(src_hbm, dst_hbm, wtab_hbm, zeros_hbm, out_hbm,
                       acc_sh, srcb0, srcb1, dstb0, dstb1, rows0, rows1,
                       sem_g0, sem_g1, sem_i0, sem_i1):
    c = lax.axis_index("c")
    s = lax.axis_index("s")

    @pl.when(s < NZT)
    def _zero():
        pltpu.sync_copy(zeros_hbm, acc_sh.at[pl.ds(s * RPT, RPT)])

    @pl.when(s == NZT)
    def _zero_pad():
        pltpu.sync_copy(zeros_hbm.at[pl.ds(0, PADR)], acc_sh.at[pl.ds(N, PADR)])

    def idx_load(g, srcb, dstb, sem):
        pltpu.async_copy(src_hbm.at[s, g], srcb, sem)
        pltpu.async_copy(dst_hbm.at[s, g], dstb, sem)

    def idx_wait(g, srcb, dstb, sem):
        pltpu.make_async_copy(src_hbm.at[s, g], srcb, sem).wait()
        pltpu.make_async_copy(dst_hbm.at[s, g], dstb, sem).wait()

    def adjust(srcb):
        for j in range(CH // L):
            sl = pl.ds(j * L, L)
            srcb[sl] = srcb[sl] * 2 + c

    def gather_start(srcb, rows, sem):
        pltpu.async_copy(wtab_hbm.at[srcb], rows, sem)

    def gather_wait(srcb, rows, sem):
        pltpu.make_async_copy(wtab_hbm.at[srcb], rows, sem).wait()

    def scat(dstb, rows):
        pltpu.sync_copy(rows, acc_sh.at[dstb], add=True)

    plsc.subcore_barrier()

    idx_load(0, srcb0, dstb0, sem_i0)
    idx_wait(0, srcb0, dstb0, sem_i0)
    adjust(srcb0)
    gather_start(srcb0, rows0, sem_g0)
    idx_load(1, srcb1, dstb1, sem_i1)

    def step(i, carry):
        a = 2 * i
        idx_wait(a + 1, srcb1, dstb1, sem_i1)
        adjust(srcb1)
        gather_start(srcb1, rows1, sem_g1)
        gather_wait(srcb0, rows0, sem_g0)
        scat(dstb0, rows0)

        @pl.when(a + 2 < NCHUNK)
        def _even_next():
            idx_load(a + 2, srcb0, dstb0, sem_i0)
            idx_wait(a + 2, srcb0, dstb0, sem_i0)
            adjust(srcb0)
            gather_start(srcb0, rows0, sem_g0)

        gather_wait(srcb1, rows1, sem_g1)
        scat(dstb1, rows1)

        @pl.when(a + 3 < NCHUNK)
        def _odd_next():
            idx_load(a + 3, srcb1, dstb1, sem_i1)

        return carry

    lax.fori_loop(0, NCHUNK // 2, step, 0)
    plsc.subcore_barrier()

    @pl.when(s < NZT)
    def _writeback():
        pltpu.sync_copy(acc_sh.at[pl.ds(s * RPT, RPT)],
                        out_hbm.at[c, pl.ds(s * RPT, RPT)])


BLK = 5000
_DIMS = (((1,), (1,)), ((), ()))


def _matT(t, W):
    return lax.dot_general(t, W, _DIMS, preferred_element_type=jnp.float32)


def _dcoefs(W, w):
    wm = W * w
    return lax.rsqrt(jnp.sum(wm * wm, axis=1) + 1e-8).reshape(1, D)


def _style(t, W, b, nz, w):
    a = _matT(t, W) + b
    a = _matT(a * w, W)
    a = a * _dcoefs(W, w) + nz + b
    return jnp.where(a >= 0, a, 0.01 * a)


def _dense_pre_body(x_ref, w_ref, Wn_ref, bn_ref, n0_ref, W2_ref, b2_ref,
                    s_ref):
    w = w_ref[...]
    xn = _style(x_ref[...], Wn_ref[...], bn_ref[...], n0_ref[...], w)
    s_ref[...] = xn + _matT(xn, W2_ref[...]) + b2_ref[...]


def _dense_post_body(xl_ref, xr_ref, s_ref, w_ref, be_ref, W1_ref, b1_ref,
                     Wf1_ref, bf1_ref, n1_ref, Wf2_ref, bf2_ref, n2_ref,
                     o_ref):
    w = w_ref[...]
    o = jnp.concatenate([xl_ref[...], xr_ref[...]], axis=1) + be_ref[...]
    o = o + _matT(o, W1_ref[...]) + b1_ref[...] + s_ref[...]
    o = jnp.maximum(o, 0.0)
    o = _style(o, Wf1_ref[...], bf1_ref[...], n1_ref[...], w)
    o = _style(o, Wf2_ref[...], bf2_ref[...], n2_ref[...], w)
    o_ref[...] = o


def _half_spec():
    return pl.BlockSpec((BLK, H), lambda i: (i, 0))


def _full_spec():
    return pl.BlockSpec((BLK, D), lambda i: (i, 0))


def _mat_spec():
    return pl.BlockSpec((D, D), lambda i: (0, 0))


def _vec_spec():
    return pl.BlockSpec((1, D), lambda i: (0, 0))


_dense_pre = pl.pallas_call(
    _dense_pre_body,
    grid=(N // BLK,),
    in_specs=[
        _full_spec(), _vec_spec(),
        _mat_spec(), _vec_spec(), _vec_spec(),
        _mat_spec(), _vec_spec(),
    ],
    out_specs=_full_spec(),
    out_shape=jax.ShapeDtypeStruct((N, D), jnp.float32),
)

_dense_post = pl.pallas_call(
    _dense_post_body,
    grid=(N // BLK,),
    in_specs=[
        _half_spec(), _half_spec(), _full_spec(), _vec_spec(), _vec_spec(),
        _mat_spec(), _vec_spec(),
        _mat_spec(), _vec_spec(), _vec_spec(),
        _mat_spec(), _vec_spec(), _vec_spec(),
    ],
    out_specs=_full_spec(),
    out_shape=jax.ShapeDtypeStruct((N, D), jnp.float32),
)


def kernel(x, edge_index, w, W_edge, b_edge, W_cat1, b_cat1, W_cat2, b_cat2,
           W_node, b_node, ns_node, W_f1, b_f1, ns_f1, W_f2, b_f2, ns_f2):
    npad = EPAD - E
    src = jnp.concatenate([edge_index[0], jnp.zeros((npad,), jnp.int32)])
    dst = jnp.concatenate([edge_index[1], jnp.full((npad,), N, jnp.int32)])
    src = src.reshape(NS, NCHUNK, CH)
    dst = dst.reshape(NS, NCHUNK, CH)
    wtab = W_edge.reshape(2 * N, H)
    zeros = jnp.zeros((RPT, H), jnp.float32)

    nk = jax.random.key(7)
    n0 = jax.random.normal(jax.random.fold_in(nk, 0), (1, D), jnp.float32) * ns_node
    n1 = jax.random.normal(jax.random.fold_in(nk, 1), (1, D), jnp.float32) * ns_f1
    n2 = jax.random.normal(jax.random.fold_in(nk, 2), (1, D), jnp.float32) * ns_f2

    row = lambda v: v.reshape(1, D)
    s = _dense_pre(x, row(w), W_node, row(b_node), n0, W_cat2, row(b_cat2))
    halves = _make_edge_scatter()(src, dst, wtab, zeros)
    return _dense_post(halves[0], halves[1], s, row(w), row(b_edge),
                       W_cat1, row(b_cat1),
                       W_f1, row(b_f1), n1,
                       W_f2, row(b_f2), n2)

# --- scband reference (transcript-rebuilt; emitter-appended) ---
"""Pipeline reference for scband-style-linkx-9766755631185 (READ-ONLY COPY).

The authoritative reference and input builder live on the scoring server;
editing this copy changes nothing except your own understanding.
"""

import jax, jax.numpy as jnp
import numpy as np

N = 10000
E = 160000
D = 256


def _style_layer(x, w_style, weight, bias, noise_strength, nkey):
    # StyleLinearLayer.forward
    x = x @ weight.T + bias  # self.linear(x)
    noise = jax.random.normal(nkey, (1, x.shape[1]), dtype=x.dtype) * noise_strength
    # modulated_linear(x, weight, w_style, noise), demodulate=True, float32 path
    wm = weight[None, :, :] * w_style[None, None, :]
    dcoefs = jax.lax.rsqrt(jnp.sum(jnp.square(wm), axis=2) + 1e-08)  # [1, out]
    x = x * w_style[None, :]
    x = x @ weight.T  # F.linear(x, weight)
    # fma(x, dcoefs, noise) == x * dcoefs + noise
    x = x * jnp.broadcast_to(dcoefs, x.shape) + noise
    x = x + bias  # x.add_(self.linear.bias)
    return jax.nn.leaky_relu(x, negative_slope=0.01)


def setup_inputs(seed: int = 0):
    key = jax.random.key(seed)
    ks = jax.random.split(key, 20)
    s = 0.05
    inp = {}
    inp["x"] = jax.random.normal(ks[0], (N, D), dtype=jnp.float32)
    inp["edge_index"] = jax.random.randint(ks[1], (2, E), 0, N, dtype=jnp.int32)
    inp["w"] = jax.random.normal(ks[2], (D,), dtype=jnp.float32)
    inp["W_edge"] = jax.random.normal(ks[3], (N, D), dtype=jnp.float32) * s
    inp["b_edge"] = jnp.zeros((D,), dtype=jnp.float32)
    inp["W_cat1"] = jax.random.normal(ks[4], (D, D), dtype=jnp.float32) * s
    inp["b_cat1"] = jnp.zeros((D,), dtype=jnp.float32)
    inp["W_cat2"] = jax.random.normal(ks[5], (D, D), dtype=jnp.float32) * s
    inp["b_cat2"] = jnp.zeros((D,), dtype=jnp.float32)
    inp["W_node"] = jax.random.normal(ks[6], (D, D), dtype=jnp.float32) * s
    inp["b_node"] = jnp.zeros((D,), dtype=jnp.float32)
    inp["ns_node"] = jnp.zeros((1,), dtype=jnp.float32)
    inp["W_f1"] = jax.random.normal(ks[7], (D, D), dtype=jnp.float32) * s
    inp["b_f1"] = jnp.zeros((D,), dtype=jnp.float32)
    inp["ns_f1"] = jnp.zeros((1,), dtype=jnp.float32)
    inp["W_f2"] = jax.random.normal(ks[8], (D, D), dtype=jnp.float32) * s
    inp["b_f2"] = jnp.zeros((D,), dtype=jnp.float32)
    inp["ns_f2"] = jnp.zeros((1,), dtype=jnp.float32)
    return inp


def reference(x, edge_index, w, W_edge, b_edge, W_cat1, b_cat1, W_cat2, b_cat2, W_node, b_node, ns_node, W_f1, b_f1, ns_f1, W_f2, b_f2, ns_f2):
    # edge_lin: SparseLinear(num_nodes, hidden) applied to adjacency:
    # out[i] = sum_{(j->i) in edges} W_edge[j] + b_edge  (scatter-add of weight rows)
    src = edge_index[0]
    dst = edge_index[1]
    out = jnp.zeros((N, D), dtype=jnp.float32).at[dst].add(W_edge[src]) + b_edge
    # num_edge_layers == 1 -> no edge_norm / edge_mlp
    out = out + (out @ W_cat1.T + b_cat1)
    nk = jax.random.key(7)
    xn = _style_layer(x, w, W_node, b_node, ns_node, jax.random.fold_in(nk, 0))
    out = out + xn
    out = out + (xn @ W_cat2.T + b_cat2)
    out = jax.nn.relu(out)
    out = _style_layer(out, w, W_f1, b_f1, ns_f1, jax.random.fold_in(nk, 1))
    out = _style_layer(out, w, W_f2, b_f2, ns_f2, jax.random.fold_in(nk, 2))
    return out

if __name__ == "__main__":
    import jax
    _d = setup_inputs()
    print(jax.jit(kernel)(*tuple(_d.values())))

</pallas_src>

<mosaic_0001>
#map = affine_map<(d0, d1) -> (0, 0, 0)>
#map1 = affine_map<(d0, d1) -> (0, 0)>
module attributes {stable_mosaic.version = 14 : i64} {
  func.func @_edge_scatter_body(%arg0: i32, %arg1: i32, %arg2: memref<16x90x112xi32, #tpu.memory_space<hbm>>, %arg3: memref<16x90x112xi32, #tpu.memory_space<hbm>>, %arg4: memref<20000x128xf32, #tpu.memory_space<hbm>>, %arg5: memref<1000x128xf32, #tpu.memory_space<hbm>>, %arg6: memref<2x10000x128xf32, #tpu.memory_space<hbm>>, %arg7: memref<10016x128xf32, #tpu.memory_space<vmem_shared>>, %arg8: memref<112xi32, #tpu.memory_space<vmem>>, %arg9: memref<112xi32, #tpu.memory_space<vmem>>, %arg10: memref<112xi32, #tpu.memory_space<vmem>>, %arg11: memref<112xi32, #tpu.memory_space<vmem>>, %arg12: memref<112x128xf32, #tpu.memory_space<vmem>>, %arg13: memref<112x128xf32, #tpu.memory_space<vmem>>, %arg14: memref<!tpu.dma_semaphore, #tpu.memory_space<semaphore_mem>>, %arg15: memref<!tpu.dma_semaphore, #tpu.memory_space<semaphore_mem>>, %arg16: memref<!tpu.dma_semaphore, #tpu.memory_space<semaphore_mem>>, %arg17: memref<!tpu.dma_semaphore, #tpu.memory_space<semaphore_mem>>) attributes {dimension_semantics = [#tpu.dimension_semantics<core_parallel>, #tpu.dimension_semantics<subcore_parallel>], iteration_bounds = array<i64: 2, 16>, scalar_prefetch = 0 : i64, scratch_operands = 11 : i64, tpu.core_type = #tpu.core_type<sc_vector_subcore>, window_params = [{transform_indices = #map}, {transform_indices = #map}, {transform_indices = #map1}, {transform_indices = #map1}, {transform_indices = #map}]} {
    %lt3A = arith.constant 10 : i32
    %lt3A_0 = arith.cmpi slt, %arg1, %lt3A : i32
    %convert_element_type3A = arith.extui %lt3A_0 : i1 to i32
    %cond3A = arith.constant 0 : i32
    %cond3A_1 = arith.cmpi ne, %convert_element_type3A, %cond3A : i32
    scf.if %cond3A_1 {
      %mul3A_140 = arith.constant 1000 : i32
      %mul3A_141 = arith.muli %arg1, %mul3A_140 : i32
      "tpu.region"() ({
        %run_scoped3A = tpu.sem_alloc : memref<!tpu.dma_semaphore, #tpu.memory_space<semaphore_mem>>
        %dma_start3A_142 = arith.constant 0 : i32
        %dma_start3A_143 = tpu.memref_slice %arg7[%mul3A_141, %dma_start3A_142] : memref<10016x128xf32, #tpu.memory_space<vmem_shared>> -> memref<1000x128xf32, #tpu.memory_space<vmem_shared>>
        tpu.enqueue_dma source(%arg5 : memref<1000x128xf32, #tpu.memory_space<hbm>>) target(%dma_start3A_143 : memref<1000x128xf32, #tpu.memory_space<vmem_shared>>) target_semaphore(%run_scoped3A : memref<!tpu.dma_semaphore, #tpu.memory_space<semaphore_mem>>)
        %dma_wait3A_144 = arith.constant 0 : i32
        %dma_wait3A_145 = tpu.memref_slice %arg7[%mul3A_141, %dma_wait3A_144] : memref<10016x128xf32, #tpu.memory_space<vmem_shared>> -> memref<1000x128xf32, #tpu.memory_space<vmem_shared>>
        tpu.wait_dma2 semaphore(%run_scoped3A : memref<!tpu.dma_semaphore, #tpu.memory_space<semaphore_mem>>) src(%arg5 : memref<1000x128xf32, #tpu.memory_space<hbm>>) dst(%dma_wait3A_145 : memref<1000x128xf32, #tpu.memory_space<vmem_shared>>)
        tpu.yield
      }) : () -> ()
    } else {
    }
    %eq3A = arith.constant 10 : i32
    %eq3A_2 = arith.cmpi eq, %arg1, %eq3A : i32
    %convert_element_type3A_3 = arith.extui %eq3A_2 : i1 to i32
    %cond3A_4 = arith.constant 0 : i32
    %cond3A_5 = arith.cmpi ne, %convert_element_type3A_3, %cond3A_4 : i32
    scf.if %cond3A_5 {
      "tpu.region"() ({
        %run_scoped3A = tpu.sem_alloc : memref<!tpu.dma_semaphore, #tpu.memory_space<semaphore_mem>>
        %dma_start3A_140 = arith.constant 10000 : i32
        %dma_start3A_141 = arith.constant 0 : i32
        %dma_start3A_142 = tpu.memref_slice %arg7[%dma_start3A_140, %dma_start3A_141] : memref<10016x128xf32, #tpu.memory_space<vmem_shared>> -> memref<16x128xf32, #tpu.memory_space<vmem_shared>>
        %dma_start3A_143 = arith.constant 0 : i32
        %dma_start3A_144 = arith.constant 0 : i32
        %dma_start3A_145 = tpu.memref_slice %arg5[%dma_start3A_143, %dma_start3A_144] : memref<1000x128xf32, #tpu.memory_space<hbm>> -> memref<16x128xf32, #tpu.memory_space<hbm>>
        tpu.enqueue_dma source(%dma_start3A_145 : memref<16x128xf32, #tpu.memory_space<hbm>>) target(%dma_start3A_142 : memref<16x128xf32, #tpu.memory_space<vmem_shared>>) target_semaphore(%run_scoped3A : memref<!tpu.dma_semaphore, #tpu.memory_space<semaphore_mem>>)
        %dma_wait3A_146 = arith.constant 10000 : i32
        %dma_wait3A_147 = arith.constant 0 : i32
        %dma_wait3A_148 = tpu.memref_slice %arg7[%dma_wait3A_146, %dma_wait3A_147] : memref<10016x128xf32, #tpu.memory_space<vmem_shared>> -> memref<16x128xf32, #tpu.memory_space<vmem_shared>>
        %dma_wait3A_149 = arith.constant 0 : i32
        %dma_wait3A_150 = arith.constant 0 : i32
        %dma_wait3A_151 = tpu.memref_slice %arg5[%dma_wait3A_149, %dma_wait3A_150] : memref<1000x128xf32, #tpu.memory_space<hbm>> -> memref<16x128xf32, #tpu.memory_space<hbm>>
        tpu.wait_dma2 semaphore(%run_scoped3A : memref<!tpu.dma_semaphore, #tpu.memory_space<semaphore_mem>>) src(%dma_wait3A_151 : memref<16x128xf32, #tpu.memory_space<hbm>>) dst(%dma_wait3A_148 : memref<16x128xf32, #tpu.memory_space<vmem_shared>>)
        tpu.yield
      }) : () -> ()
    } else {
    }
    %barrier3A = arith.constant 0 : index
    tpu.barrier barrier_id(%barrier3A)
    %dma_start3A = arith.constant 0 : i32
    %dma_start3A_6 = arith.constant 0 : i32
    %dma_start3A_7 = tpu.memref_slice %arg2[%arg1, %dma_start3A, %dma_start3A_6] : memref<16x90x112xi32, #tpu.memory_space<hbm>> -> memref<1x1x112xi32, #tpu.memory_space<hbm>>
    %dma_start3A_8 = tpu.memref_squeeze %dma_start3A_7 : memref<1x1x112xi32, #tpu.memory_space<hbm>> -> memref<112xi32, #tpu.memory_space<hbm>>
    %dma_start3A_9 = arith.constant 0 : i32
    %dma_start3A_10 = tpu.memref_slice %arg2[%arg1, %dma_start3A, %dma_start3A_9] : memref<16x90x112xi32, #tpu.memory_space<hbm>> -> memref<1x1x112xi32, #tpu.memory_space<hbm>>
    %dma_start3A_11 = tpu.memref_squeeze %dma_start3A_10 : memref<1x1x112xi32, #tpu.memory_space<hbm>> -> memref<112xi32, #tpu.memory_space<hbm>>
    tpu.enqueue_dma source(%dma_start3A_11 : memref<112xi32, #tpu.memory_space<hbm>>) target(%arg8 : memref<112xi32, #tpu.memory_space<vmem>>) target_semaphore(%arg16 : memref<!tpu.dma_semaphore, #tpu.memory_space<semaphore_mem>>)
    %dma_start3A_12 = arith.constant 0 : i32
    %dma_start3A_13 = arith.constant 0 : i32
    %dma_start3A_14 = tpu.memref_slice %arg3[%arg1, %dma_start3A_12, %dma_start3A_13] : memref<16x90x112xi32, #tpu.memory_space<hbm>> -> memref<1x1x112xi32, #tpu.memory_space<hbm>>
    %dma_start3A_15 = tpu.memref_squeeze %dma_start3A_14 : memref<1x1x112xi32, #tpu.memory_space<hbm>> -> memref<112xi32, #tpu.memory_space<hbm>>
    %dma_start3A_16 = arith.constant 0 : i32
    %dma_start3A_17 = tpu.memref_slice %arg3[%arg1, %dma_start3A_12, %dma_start3A_16] : memref<16x90x112xi32, #tpu.memory_space<hbm>> -> memref<1x1x112xi32, #tpu.memory_space<hbm>>
    %dma_start3A_18 = tpu.memref_squeeze %dma_start3A_17 : memref<1x1x112xi32, #tpu.memory_space<hbm>> -> memref<112xi32, #tpu.memory_space<hbm>>
    tpu.enqueue_dma source(%dma_start3A_18 : memref<112xi32, #tpu.memory_space<hbm>>) target(%arg10 : memref<112xi32, #tpu.memory_space<vmem>>) target_semaphore(%arg16 : memref<!tpu.dma_semaphore, #tpu.memory_space<semaphore_mem>>)
    %dma_wait3A = arith.constant 0 : i32
    %dma_wait3A_19 = arith.constant 0 : i32
    %dma_wait3A_20 = tpu.memref_slice %arg2[%arg1, %dma_wait3A, %dma_wait3A_19] : memref<16x90x112xi32, #tpu.memory_space<hbm>> -> memref<1x1x112xi32, #tpu.memory_space<hbm>>
    %dma_wait3A_21 = tpu.memref_squeeze %dma_wait3A_20 : memref<1x1x112xi32, #tpu.memory_space<hbm>> -> memref<112xi32, #tpu.memory_space<hbm>>
    %dma_wait3A_22 = arith.constant 0 : i32
    %dma_wait3A_23 = tpu.memref_slice %arg2[%arg1, %dma_wait3A, %dma_wait3A_22] : memref<16x90x112xi32, #tpu.memory_space<hbm>> -> memref<1x1x112xi32, #tpu.memory_space<hbm>>
    %dma_wait3A_24 = tpu.memref_squeeze %dma_wait3A_23 : memref<1x1x112xi32, #tpu.memory_space<hbm>> -> memref<112xi32, #tpu.memory_space<hbm>>
    tpu.wait_dma2 semaphore(%arg16 : memref<!tpu.dma_semaphore, #tpu.memory_space<semaphore_mem>>) src(%dma_wait3A_24 : memref<112xi32, #tpu.memory_space<hbm>>) dst(%arg8 : memref<112xi32, #tpu.memory_space<vmem>>)
    %dma_wait3A_25 = arith.constant 0 : i32
    %dma_wait3A_26 = arith.constant 0 : i32
    %dma_wait3A_27 = tpu.memref_slice %arg3[%arg1, %dma_wait3A_25, %dma_wait3A_26] : memref<16x90x112xi32, #tpu.memory_space<hbm>> -> memref<1x1x112xi32, #tpu.memory_space<hbm>>
    %dma_wait3A_28 = tpu.memref_squeeze %dma_wait3A_27 : memref<1x1x112xi32, #tpu.memory_space<hbm>> -> memref<112xi32, #tpu.memory_space<hbm>>
    %dma_wait3A_29 = arith.constant 0 : i32
    %dma_wait3A_30 = tpu.memref_slice %arg3[%arg1, %dma_wait3A_25, %dma_wait3A_29] : memref<16x90x112xi32, #tpu.memory_space<hbm>> -> memref<1x1x112xi32, #tpu.memory_space<hbm>>
    %dma_wait3A_31 = tpu.memref_squeeze %dma_wait3A_30 : memref<1x1x112xi32, #tpu.memory_space<hbm>> -> memref<112xi32, #tpu.memory_space<hbm>>
    tpu.wait_dma2 semaphore(%arg16 : memref<!tpu.dma_semaphore, #tpu.memory_space<semaphore_mem>>) src(%dma_wait3A_31 : memref<112xi32, #tpu.memory_space<hbm>>) dst(%arg10 : memref<112xi32, #tpu.memory_space<vmem>>)
    %get3A = arith.constant 0 : index
    %get3A_32 = tpu.vector_load %arg8[%get3A] {strides = array<i32>} : memref<112xi32, #tpu.memory_space<vmem>>, vector<16xi32>,
    %get3A_33 = vector.shape_cast %get3A_32 : vector<16xi32> to vector<16xi32>
    %mul3A = arith.constant 2 : i32
    %mul3A_34 = vector.broadcast %mul3A : i32 to vector<16xi32>
    %mul3A_35 = arith.muli %get3A_33, %mul3A_34 : vector<16xi32>
    %add3A = vector.broadcast %arg0 : i32 to vector<16xi32>
    %add3A_36 = arith.addi %mul3A_35, %add3A : vector<16xi32>
    %swap3A = arith.constant 0 : index
    %swap3A_37 = tpu.vector_load %arg8[%swap3A] {strides = array<i32>} : memref<112xi32, #tpu.memory_space<vmem>>, vector<16xi32>,
    %swap3A_38 = vector.shape_cast %swap3A_37 : vector<16xi32> to vector<16xi32>
    %swap3A_39 = vector.shape_cast %add3A_36 : vector<16xi32> to vector<16xi32>
    tpu.vector_store %arg8[%swap3A], %swap3A_39 {strides = array<i32>} : memref<112xi32, #tpu.memory_space<vmem>>, vector<16xi32>,
    %get3A_40 = arith.constant 16 : index
    %get3A_41 = tpu.vector_load %arg8[%get3A_40] {strides = array<i32>} : memref<112xi32, #tpu.memory_space<vmem>>, vector<16xi32>,
    %get3A_42 = vector.shape_cast %get3A_41 : vector<16xi32> to vector<16xi32>
    %mul3A_43 = arith.constant 2 : i32
    %mul3A_44 = vector.broadcast %mul3A_43 : i32 to vector<16xi32>
    %mul3A_45 = arith.muli %get3A_42, %mul3A_44 : vector<16xi32>
    %add3A_46 = vector.broadcast %arg0 : i32 to vector<16xi32>
    %add3A_47 = arith.addi %mul3A_45, %add3A_46 : vector<16xi32>
    %swap3A_48 = arith.constant 16 : index
    %swap3A_49 = tpu.vector_load %arg8[%swap3A_48] {strides = array<i32>} : memref<112xi32, #tpu.memory_space<vmem>>, vector<16xi32>,
    %swap3A_50 = vector.shape_cast %swap3A_49 : vector<16xi32> to vector<16xi32>
    %swap3A_51 = vector.shape_cast %add3A_47 : vector<16xi32> to vector<16xi32>
    tpu.vector_store %arg8[%swap3A_48], %swap3A_51 {strides = array<i32>} : memref<112xi32, #tpu.memory_space<vmem>>, vector<16xi32>,
    %get3A_52 = arith.constant 32 : index
    %get3A_53 = tpu.vector_load %arg8[%get3A_52] {strides = array<i32>} : memref<112xi32, #tpu.memory_space<vmem>>, vector<16xi32>,
    %get3A_54 = vector.shape_cast %get3A_53 : vector<16xi32> to vector<16xi32>
    %mul3A_55 = arith.constant 2 : i32
    %mul3A_56 = vector.broadcast %mul3A_55 : i32 to vector<16xi32>
    %mul3A_57 = arith.muli %get3A_54, %mul3A_56 : vector<16xi32>
    %add3A_58 = vector.broadcast %arg0 : i32 to vector<16xi32>
    %add3A_59 = arith.addi %mul3A_57, %add3A_58 : vector<16xi32>
    %swap3A_60 = arith.constant 32 : index
    %swap3A_61 = tpu.vector_load %arg8[%swap3A_60] {strides = array<i32>} : memref<112xi32, #tpu.memory_space<vmem>>, vector<16xi32>,
    %swap3A_62 = vector.shape_cast %swap3A_61 : vector<16xi32> to vector<16xi32>
    %swap3A_63 = vector.shape_cast %add3A_59 : vector<16xi32> to vector<16xi32>
    tpu.vector_store %arg8[%swap3A_60], %swap3A_63 {strides = array<i32>} : memref<112xi32, #tpu.memory_space<vmem>>, vector<16xi32>,
    %get3A_64 = arith.constant 48 : index
    %get3A_65 = tpu.vector_load %arg8[%get3A_64] {strides = array<i32>} : memref<112xi32, #tpu.memory_space<vmem>>, vector<16xi32>,
    %get3A_66 = vector.shape_cast %get3A_65 : vector<16xi32> to vector<16xi32>
    %mul3A_67 = arith.constant 2 : i32
    %mul3A_68 = vector.broadcast %mul3A_67 : i32 to vector<16xi32>
    %mul3A_69 = arith.muli %get3A_66, %mul3A_68 : vector<16xi32>
    %add3A_70 = vector.broadcast %arg0 : i32 to vector<16xi32>
    %add3A_71 = arith.addi %mul3A_69, %add3A_70 : vector<16xi32>
    %swap3A_72 = arith.constant 48 : index
    %swap3A_73 = tpu.vector_load %arg8[%swap3A_72] {strides = array<i32>} : memref<112xi32, #tpu.memory_space<vmem>>, vector<16xi32>,
    %swap3A_74 = vector.shape_cast %swap3A_73 : vector<16xi32> to vector<16xi32>
    %swap3A_75 = vector.shape_cast %add3A_71 : vector<16xi32> to vector<16xi32>
    tpu.vector_store %arg8[%swap3A_72], %swap3A_75 {strides = array<i32>} : memref<112xi32, #tpu.memory_space<vmem>>, vector<16xi32>,
    %get3A_76 = arith.constant 64 : index
    %get3A_77 = tpu.vector_load %arg8[%get3A_76] {strides = array<i32>} : memref<112xi32, #tpu.memory_space<vmem>>, vector<16xi32>,
    %get3A_78 = vector.shape_cast %get3A_77 : vector<16xi32> to vector<16xi32>
    %mul3A_79 = arith.constant 2 : i32
    %mul3A_80 = vector.broadcast %mul3A_79 : i32 to vector<16xi32>
    %mul3A_81 = arith.muli %get3A_78, %mul3A_80 : vector<16xi32>
    %add3A_82 = vector.broadcast %arg0 : i32 to vector<16xi32>
    %add3A_83 = arith.addi %mul3A_81, %add3A_82 : vector<16xi32>
    %swap3A_84 = arith.constant 64 : index
    %swap3A_85 = tpu.vector_load %arg8[%swap3A_84] {strides = array<i32>} : memref<112xi32, #tpu.memory_space<vmem>>, vector<16xi32>,
    %swap3A_86 = vector.shape_cast %swap3A_85 : vector<16xi32> to vector<16xi32>
    %swap3A_87 = vector.shape_cast %add3A_83 : vector<16xi32> to vector<16xi32>
    tpu.vector_store %arg8[%swap3A_84], %swap3A_87 {strides = array<i32>} : memref<112xi32, #tpu.memory_space<vmem>>, vector<16xi32>,
    %get3A_88 = arith.constant 80 : index
    %get3A_89 = tpu.vector_load %arg8[%get3A_88] {strides = array<i32>} : memref<112xi32, #tpu.memory_space<vmem>>, vector<16xi32>,
    %get3A_90 = vector.shape_cast %get3A_89 : vector<16xi32> to vector<16xi32>
    %mul3A_91 = arith.constant 2 : i32
    %mul3A_92 = vector.broadcast %mul3A_91 : i32 to vector<16xi32>
    %mul3A_93 = arith.muli %get3A_90, %mul3A_92 : vector<16xi32>
    %add3A_94 = vector.broadcast %arg0 : i32 to vector<16xi32>
    %add3A_95 = arith.addi %mul3A_93, %add3A_94 : vector<16xi32>
    %swap3A_96 = arith.constant 80 : index
    %swap3A_97 = tpu.vector_load %arg8[%swap3A_96] {strides = array<i32>} : memref<112xi32, #tpu.memory_space<vmem>>, vector<16xi32>,
    %swap3A_98 = vector.shape_cast %swap3A_97 : vector<16xi32> to vector<16xi32>
    %swap3A_99 = vector.shape_cast %add3A_95 : vector<16xi32> to vector<16xi32>
    tpu.vector_store %arg8[%swap3A_96], %swap3A_99 {strides = array<i32>} : memref<112xi32, #tpu.memory_space<vmem>>, vector<16xi32>,
    %get3A_100 = arith.constant 96 : index
    %get3A_101 = tpu.vector_load %arg8[%get3A_100] {strides = array<i32>} : memref<112xi32, #tpu.memory_space<vmem>>, vector<16xi32>,
    %get3A_102 = vector.shape_cast %get3A_101 : vector<16xi32> to vector<16xi32>
    %mul3A_103 = arith.constant 2 : i32
    %mul3A_104 = vector.broadcast %mul3A_103 : i32 to vector<16xi32>
    %mul3A_105 = arith.muli %get3A_102, %mul3A_104 : vector<16xi32>
    %add3A_106 = vector.broadcast %arg0 : i32 to vector<16xi32>
    %add3A_107 = arith.addi %mul3A_105, %add3A_106 : vector<16xi32>
    %swap3A_108 = arith.constant 96 : index
    %swap3A_109 = tpu.vector_load %arg8[%swap3A_108] {strides = array<i32>} : memref<112xi32, #tpu.memory_space<vmem>>, vector<16xi32>,
    %swap3A_110 = vector.shape_cast %swap3A_109 : vector<16xi32> to vector<16xi32>
    %swap3A_111 = vector.shape_cast %add3A_107 : vector<16xi32> to vector<16xi32>
    tpu.vector_store %arg8[%swap3A_108], %swap3A_111 {strides = array<i32>} : memref<112xi32, #tpu.memory_space<vmem>>, vector<16xi32>,
    %dma_start3A_112 = arith.constant 0 : i32
    %dma_start3A_113 = arith.constant 0 : i32
    %dma_start3A_114 = tpu.memref_slice %arg4[%dma_start3A_112, %dma_start3A_113] : memref<20000x128xf32, #tpu.memory_space<hbm>> -> memref<20000x128xf32, #tpu.memory_space<hbm>>
    tpu.enqueue_indirect_dma source(%dma_start3A_114 : memref<20000x128xf32, #tpu.memory_space<hbm>>) target(%arg12 : memref<112x128xf32, #tpu.memory_space<vmem>>) offsets(%arg8 : memref<112xi32, #tpu.memory_space<vmem>>) semaphore(%arg14 : memref<!tpu.dma_semaphore, #tpu.memory_space<semaphore_mem>>)
    %dma_start3A_115 = arith.constant 1 : i32
    %dma_start3A_116 = arith.constant 0 : i32
    %dma_start3A_117 = tpu.memref_slice %arg2[%arg1, %dma_start3A_115, %dma_start3A_116] : memref<16x90x112xi32, #tpu.memory_space<hbm>> -> memref<1x1x112xi32, #tpu.memory_space<hbm>>
    %dma_start3A_118 = tpu.memref_squeeze %dma_start3A_117 : memref<1x1x112xi32, #tpu.memory_space<hbm>> -> memref<112xi32, #tpu.memory_space<hbm>>
    %dma_start3A_119 = arith.constant 0 : i32
    %dma_start3A_120 = tpu.memref_slice %arg2[%arg1, %dma_start3A_115, %dma_start3A_119] : memref<16x90x112xi32, #tpu.memory_space<hbm>> -> memref<1x1x112xi32, #tpu.memory_space<hbm>>
    %dma_start3A_121 = tpu.memref_squeeze %dma_start3A_120 : memref<1x1x112xi32, #tpu.memory_space<hbm>> -> memref<112xi32, #tpu.memory_space<hbm>>
    tpu.enqueue_dma source(%dma_start3A_121 : memref<112xi32, #tpu.memory_space<hbm>>) target(%arg9 : memref<112xi32, #tpu.memory_space<vmem>>) target_semaphore(%arg17 : memref<!tpu.dma_semaphore, #tpu.memory_space<semaphore_mem>>)
    %dma_start3A_122 = arith.constant 1 : i32
    %dma_start3A_123 = arith.constant 0 : i32
    %dma_start3A_124 = tpu.memref_slice %arg3[%arg1, %dma_start3A_122, %dma_start3A_123] : memref<16x90x112xi32, #tpu.memory_space<hbm>> -> memref<1x1x112xi32, #tpu.memory_space<hbm>>
    %dma_start3A_125 = tpu.memref_squeeze %dma_start3A_124 : memref<1x1x112xi32, #tpu.memory_space<hbm>> -> memref<112xi32, #tpu.memory_space<hbm>>
    %dma_start3A_126 = arith.constant 0 : i32
    %dma_start3A_127 = tpu.memref_slice %arg3[%arg1, %dma_start3A_122, %dma_start3A_126] : memref<16x90x112xi32, #tpu.memory_space<hbm>> -> memref<1x1x112xi32, #tpu.memory_space<hbm>>
    %dma_start3A_128 = tpu.memref_squeeze %dma_start3A_127 : memref<1x1x112xi32, #tpu.memory_space<hbm>> -> memref<112xi32, #tpu.memory_space<hbm>>
    tpu.enqueue_dma source(%dma_start3A_128 : memref<112xi32, #tpu.memory_space<hbm>>) target(%arg11 : memref<112xi32, #tpu.memory_space<vmem>>) target_semaphore(%arg17 : memref<!tpu.dma_semaphore, #tpu.memory_space<semaphore_mem>>)
    %scan3A = arith.constant 0 : i32
    %scan3A_129 = arith.constant 0 : i32
    %scan3A_130 = arith.constant 45 : i32
    %scan3A_131 = arith.addi %scan3A_129, %scan3A_130 : i32
    %scan3A_132 = arith.constant 1 : i32
    scf.for %scan3A_140 = %scan3A_129 to %scan3A_131 step %scan3A_132  : i32 {
      %mul3A_141 = arith.constant 2 : i32
      %mul3A_142 = arith.muli %mul3A_141, %scan3A_140 : i32
      %add3A_143 = arith.constant 1 : i32
      %add3A_144 = arith.addi %mul3A_142, %add3A_143 : i32
      %dma_wait3A_145 = arith.constant 0 : i32
      %dma_wait3A_146 = tpu.memref_slice %arg2[%arg1, %add3A_144, %dma_wait3A_145] : memref<16x90x112xi32, #tpu.memory_space<hbm>> -> memref<1x1x112xi32, #tpu.memory_space<hbm>>
      %dma_wait3A_147 = tpu.memref_squeeze %dma_wait3A_146 : memref<1x1x112xi32, #tpu.memory_space<hbm>> -> memref<112xi32, #tpu.memory_space<hbm>>
      %dma_wait3A_148 = arith.constant 0 : i32
      %dma_wait3A_149 = tpu.memref_slice %arg2[%arg1, %add3A_144, %dma_wait3A_148] : memref<16x90x112xi32, #tpu.memory_space<hbm>> -> memref<1x1x112xi32, #tpu.memory_space<hbm>>
      %dma_wait3A_150 = tpu.memref_squeeze %dma_wait3A_149 : memref<1x1x112xi32, #tpu.memory_space<hbm>> -> memref<112xi32, #tpu.memory_space<hbm>>
      tpu.wait_dma2 semaphore(%arg17 : memref<!tpu.dma_semaphore, #tpu.memory_space<semaphore_mem>>) src(%dma_wait3A_150 : memref<112xi32, #tpu.memory_space<hbm>>) dst(%arg9 : memref<112xi32, #tpu.memory_space<vmem>>)
      %dma_wait3A_151 = arith.constant 0 : i32
      %dma_wait3A_152 = tpu.memref_slice %arg3[%arg1, %add3A_144, %dma_wait3A_151] : memref<16x90x112xi32, #tpu.memory_space<hbm>> -> memref<1x1x112xi32, #tpu.memory_space<hbm>>
      %dma_wait3A_153 = tpu.memref_squeeze %dma_wait3A_152 : memref<1x1x112xi32, #tpu.memory_space<hbm>> -> memref<112xi32, #tpu.memory_space<hbm>>
      %dma_wait3A_154 = arith.constant 0 : i32
      %dma_wait3A_155 = tpu.memref_slice %arg3[%arg1, %add3A_144, %dma_wait3A_154] : memref<16x90x112xi32, #tpu.memory_space<hbm>> -> memref<1x1x112xi32, #tpu.memory_space<hbm>>
      %dma_wait3A_156 = tpu.memref_squeeze %dma_wait3A_155 : memref<1x1x112xi32, #tpu.memory_space<hbm>> -> memref<112xi32, #tpu.memory_space<hbm>>
      tpu.wait_dma2 semaphore(%arg17 : memref<!tpu.dma_semaphore, #tpu.memory_space<semaphore_mem>>) src(%dma_wait3A_156 : memref<112xi32, #tpu.memory_space<hbm>>) dst(%arg11 : memref<112xi32, #tpu.memory_space<vmem>>)
      %get3A_157 = arith.constant 0 : index
      %get3A_158 = tpu.vector_load %arg9[%get3A_157] {strides = array<i32>} : memref<112xi32, #tpu.memory_space<vmem>>, vector<16xi32>,
      %get3A_159 = vector.shape_cast %get3A_158 : vector<16xi32> to vector<16xi32>
      %mul3A_160 = arith.constant 2 : i32
      %mul3A_161 = vector.broadcast %mul3A_160 : i32 to vector<16xi32>
      %mul3A_162 = arith.muli %get3A_159, %mul3A_161 : vector<16xi32>
      %add3A_163 = vector.broadcast %arg0 : i32 to vector<16xi32>
      %add3A_164 = arith.addi %mul3A_162, %add3A_163 : vector<16xi32>
      %swap3A_165 = arith.constant 0 : index
      %swap3A_166 = tpu.vector_load %arg9[%swap3A_165] {strides = array<i32>} : memref<112xi32, #tpu.memory_space<vmem>>, vector<16xi32>,
      %swap3A_167 = vector.shape_cast %swap3A_166 : vector<16xi32> to vector<16xi32>
      %swap3A_168 = vector.shape_cast %add3A_164 : vector<16xi32> to vector<16xi32>
      tpu.vector_store %arg9[%swap3A_165], %swap3A_168 {strides = array<i32>} : memref<112xi32, #tpu.memory_space<vmem>>, vector<16xi32>,
      %get3A_169 = arith.constant 16 : index
      %get3A_170 = tpu.vector_load %arg9[%get3A_169] {strides = array<i32>} : memref<112xi32, #tpu.memory_space<vmem>>, vector<16xi32>,
      %get3A_171 = vector.shape_cast %get3A_170 : vector<16xi32> to vector<16xi32>
      %mul3A_172 = arith.constant 2 : i32
      %mul3A_173 = vector.broadcast %mul3A_172 : i32 to vector<16xi32>
      %mul3A_174 = arith.muli %get3A_171, %mul3A_173 : vector<16xi32>
      %add3A_175 = vector.broadcast %arg0 : i32 to vector<16xi32>
      %add3A_176 = arith.addi %mul3A_174, %add3A_175 : vector<16xi32>
      %swap3A_177 = arith.constant 16 : index
      %swap3A_178 = tpu.vector_load %arg9[%swap3A_177] {strides = array<i32>} : memref<112xi32, #tpu.memory_space<vmem>>, vector<16xi32>,
      %swap3A_179 = vector.shape_cast %swap3A_178 : vector<16xi32> to vector<16xi32>
      %swap3A_180 = vector.shape_cast %add3A_176 : vector<16xi32> to vector<16xi32>
      tpu.vector_store %arg9[%swap3A_177], %swap3A_180 {strides = array<i32>} : memref<112xi32, #tpu.memory_space<vmem>>, vector<16xi32>,
      %get3A_181 = arith.constant 32 : index
      %get3A_182 = tpu.vector_load %arg9[%get3A_181] {strides = array<i32>} : memref<112xi32, #tpu.memory_space<vmem>>, vector<16xi32>,
      %get3A_183 = vector.shape_cast %get3A_182 : vector<16xi32> to vector<16xi32>
      %mul3A_184 = arith.constant 2 : i32
      %mul3A_185 = vector.broadcast %mul3A_184 : i32 to vector<16xi32>
      %mul3A_186 = arith.muli %get3A_183, %mul3A_185 : vector<16xi32>
      %add3A_187 = vector.broadcast %arg0 : i32 to vector<16xi32>
      %add3A_188 = arith.addi %mul3A_186, %add3A_187 : vector<16xi32>
      %swap3A_189 = arith.constant 32 : index
      %swap3A_190 = tpu.vector_load %arg9[%swap3A_189] {strides = array<i32>} : memref<112xi32, #tpu.memory_space<vmem>>, vector<16xi32>,
      %swap3A_191 = vector.shape_cast %swap3A_190 : vector<16xi32> to vector<16xi32>
      %swap3A_192 = vector.shape_cast %add3A_188 : vector<16xi32> to vector<16xi32>
      tpu.vector_store %arg9[%swap3A_189], %swap3A_192 {strides = array<i32>} : memref<112xi32, #tpu.memory_space<vmem>>, vector<16xi32>,
      %get3A_193 = arith.constant 48 : index
      %get3A_194 = tpu.vector_load %arg9[%get3A_193] {strides = array<i32>} : memref<112xi32, #tpu.memory_space<vmem>>, vector<16xi32>,
      %get3A_195 = vector.shape_cast %get3A_194 : vector<16xi32> to vector<16xi32>
      %mul3A_196 = arith.constant 2 : i32
      %mul3A_197 = vector.broadcast %mul3A_196 : i32 to vector<16xi32>
      %mul3A_198 = arith.muli %get3A_195, %mul3A_197 : vector<16xi32>
      %add3A_199 = vector.broadcast %arg0 : i32 to vector<16xi32>
      %add3A_200 = arith.addi %mul3A_198, %add3A_199 : vector<16xi32>
      %swap3A_201 = arith.constant 48 : index
      %swap3A_202 = tpu.vector_load %arg9[%swap3A_201] {strides = array<i32>} : memref<112xi32, #tpu.memory_space<vmem>>, vector<16xi32>,
      %swap3A_203 = vector.shape_cast %swap3A_202 : vector<16xi32> to vector<16xi32>
      %swap3A_204 = vector.shape_cast %add3A_200 : vector<16xi32> to vector<16xi32>
      tpu.vector_store %arg9[%swap3A_201], %swap3A_204 {strides = array<i32>} : memref<112xi32, #tpu.memory_space<vmem>>, vector<16xi32>,
      %get3A_205 = arith.constant 64 : index
      %get3A_206 = tpu.vector_load %arg9[%get3A_205] {strides = array<i32>} : memref<112xi32, #tpu.memory_space<vmem>>, vector<16xi32>,
      %get3A_207 = vector.shape_cast %get3A_206 : vector<16xi32> to vector<16xi32>
      %mul3A_208 = arith.constant 2 : i32
      %mul3A_209 = vector.broadcast %mul3A_208 : i32 to vector<16xi32>
      %mul3A_210 = arith.muli %get3A_207, %mul3A_209 : vector<16xi32>
      %add3A_211 = vector.broadcast %arg0 : i32 to vector<16xi32>
      %add3A_212 = arith.addi %mul3A_210, %add3A_211 : vector<16xi32>
      %swap3A_213 = arith.constant 64 : index
      %swap3A_214 = tpu.vector_load %arg9[%swap3A_213] {strides = array<i32>} : memref<112xi32, #tpu.memory_space<vmem>>, vector<16xi32>,
      %swap3A_215 = vector.shape_cast %swap3A_214 : vector<16xi32> to vector<16xi32>
      %swap3A_216 = vector.shape_cast %add3A_212 : vector<16xi32> to vector<16xi32>
      tpu.vector_store %arg9[%swap3A_213], %swap3A_216 {strides = array<i32>} : memref<112xi32, #tpu.memory_space<vmem>>, vector<16xi32>,
      %get3A_217 = arith.constant 80 : index
      %get3A_218 = tpu.vector_load %arg9[%get3A_217] {strides = array<i32>} : memref<112xi32, #tpu.memory_space<vmem>>, vector<16xi32>,
      %get3A_219 = vector.shape_cast %get3A_218 : vector<16xi32> to vector<16xi32>
      %mul3A_220 = arith.constant 2 : i32
      %mul3A_221 = vector.broadcast %mul3A_220 : i32 to vector<16xi32>
      %mul3A_222 = arith.muli %get3A_219, %mul3A_221 : vector<16xi32>
      %add3A_223 = vector.broadcast %arg0 : i32 to vector<16xi32>
      %add3A_224 = arith.addi %mul3A_222, %add3A_223 : vector<16xi32>
      %swap3A_225 = arith.constant 80 : index
      %swap3A_226 = tpu.vector_load %arg9[%swap3A_225] {strides = array<i32>} : memref<112xi32, #tpu.memory_space<vmem>>, vector<16xi32>,
      %swap3A_227 = vector.shape_cast %swap3A_226 : vector<16xi32> to vector<16xi32>
      %swap3A_228 = vector.shape_cast %add3A_224 : vector<16xi32> to vector<16xi32>
      tpu.vector_store %arg9[%swap3A_225], %swap3A_228 {strides = array<i32>} : memref<112xi32, #tpu.memory_space<vmem>>, vector<16xi32>,
      %get3A_229 = arith.constant 96 : index
      %get3A_230 = tpu.vector_load %arg9[%get3A_229] {strides = array<i32>} : memref<112xi32, #tpu.memory_space<vmem>>, vector<16xi32>,
      %get3A_231 = vector.shape_cast %get3A_230 : vector<16xi32> to vector<16xi32>
      %mul3A_232 = arith.constant 2 : i32
      %mul3A_233 = vector.broadcast %mul3A_232 : i32 to vector<16xi32>
      %mul3A_234 = arith.muli %get3A_231, %mul3A_233 : vector<16xi32>
      %add3A_235 = vector.broadcast %arg0 : i32 to vector<16xi32>
      %add3A_236 = arith.addi %mul3A_234, %add3A_235 : vector<16xi32>
      %swap3A_237 = arith.constant 96 : index
      %swap3A_238 = tpu.vector_load %arg9[%swap3A_237] {strides = array<i32>} : memref<112xi32, #tpu.memory_space<vmem>>, vector<16xi32>,
      %swap3A_239 = vector.shape_cast %swap3A_238 : vector<16xi32> to vector<16xi32>
      %swap3A_240 = vector.shape_cast %add3A_236 : vector<16xi32> to vector<16xi32>
      tpu.vector_store %arg9[%swap3A_237], %swap3A_240 {strides = array<i32>} : memref<112xi32, #tpu.memory_space<vmem>>, vector<16xi32>,
      %dma_start3A_241 = arith.constant 0 : i32
      %dma_start3A_242 = arith.constant 0 : i32
      %dma_start3A_243 = tpu.memref_slice %arg4[%dma_start3A_241, %dma_start3A_242] : memref<20000x128xf32, #tpu.memory_space<hbm>> -> memref<20000x128xf32, #tpu.memory_space<hbm>>
      tpu.enqueue_indirect_dma source(%dma_start3A_243 : memref<20000x128xf32, #tpu.memory_space<hbm>>) target(%arg13 : memref<112x128xf32, #tpu.memory_space<vmem>>) offsets(%arg9 : memref<112xi32, #tpu.memory_space<vmem>>) semaphore(%arg15 : memref<!tpu.dma_semaphore, #tpu.memory_space<semaphore_mem>>)
      %dma_wait3A_244 = arith.constant 0 : i32
      %dma_wait3A_245 = arith.constant 0 : i32
      %dma_wait3A_246 = tpu.memref_slice %arg4[%dma_wait3A_244, %dma_wait3A_245] : memref<20000x128xf32, #tpu.memory_space<hbm>> -> memref<20000x128xf32, #tpu.memory_space<hbm>>
      tpu.wait_indirect_dma semaphore(%arg14 : memref<!tpu.dma_semaphore, #tpu.memory_space<semaphore_mem>>) src(%dma_wait3A_246 : memref<20000x128xf32, #tpu.memory_space<hbm>>) dst(%arg12 : memref<112x128xf32, #tpu.memory_space<vmem>>)
      "tpu.region"() ({
        %run_scoped3A = tpu.sem_alloc : memref<!tpu.dma_semaphore, #tpu.memory_space<semaphore_mem>>
        %dma_start3A_264 = arith.constant 0 : i32
        %dma_start3A_265 = arith.constant 0 : i32
        %dma_start3A_266 = tpu.memref_slice %arg7[%dma_start3A_264, %dma_start3A_265] : memref<10016x128xf32, #tpu.memory_space<vmem_shared>> -> memref<10016x128xf32, #tpu.memory_space<vmem_shared>>
        tpu.enqueue_indirect_dma source(%arg12 : memref<112x128xf32, #tpu.memory_space<vmem>>) target(%dma_start3A_266 : memref<10016x128xf32, #tpu.memory_space<vmem_shared>>) offsets(%arg10 : memref<112xi32, #tpu.memory_space<vmem>>) semaphore(%run_scoped3A : memref<!tpu.dma_semaphore, #tpu.memory_space<semaphore_mem>>) {add = true}
        %dma_wait3A_267 = arith.constant 0 : i32
        %dma_wait3A_268 = arith.constant 0 : i32
        %dma_wait3A_269 = tpu.memref_slice %arg7[%dma_wait3A_267, %dma_wait3A_268] : memref<10016x128xf32, #tpu.memory_space<vmem_shared>> -> memref<10016x128xf32, #tpu.memory_space<vmem_shared>>
        tpu.wait_indirect_dma semaphore(%run_scoped3A : memref<!tpu.dma_semaphore, #tpu.memory_space<semaphore_mem>>) src(%arg12 : memref<112x128xf32, #tpu.memory_space<vmem>>) dst(%dma_wait3A_269 : memref<10016x128xf32, #tpu.memory_space<vmem_shared>>)
        tpu.yield
      }) : () -> ()
      %add3A_247 = arith.constant 2 : i32
      %add3A_248 = arith.addi %mul3A_142, %add3A_247 : i32
      %lt3A_249 = arith.constant 90 : i32
      %lt3A_250 = arith.cmpi slt, %add3A_248, %lt3A_249 : i32
      %convert_element_type3A_251 = arith.extui %lt3A_250 : i1 to i32
      %cond3A_252 = arith.constant 0 : i32
      %cond3A_253 = arith.cmpi ne, %convert_element_type3A_251, %cond3A_252 : i32
      scf.if %cond3A_253 {
        %add3A_264 = arith.constant 2 : i32
        %add3A_265 = arith.addi %mul3A_142, %add3A_264 : i32
        %dma_start3A_266 = arith.constant 0 : i32
        %dma_start3A_267 = tpu.memref_slice %arg2[%arg1, %add3A_265, %dma_start3A_266] : memref<16x90x112xi32, #tpu.memory_space<hbm>> -> memref<1x1x112xi32, #tpu.memory_space<hbm>>
        %dma_start3A_268 = tpu.memref_squeeze %dma_start3A_267 : memref<1x1x112xi32, #tpu.memory_space<hbm>> -> memref<112xi32, #tpu.memory_space<hbm>>
        %dma_start3A_269 = arith.constant 0 : i32
        %dma_start3A_270 = tpu.memref_slice %arg2[%arg1, %add3A_265, %dma_start3A_269] : memref<16x90x112xi32, #tpu.memory_space<hbm>> -> memref<1x1x112xi32, #tpu.memory_space<hbm>>
        %dma_start3A_271 = tpu.memref_squeeze %dma_start3A_270 : memref<1x1x112xi32, #tpu.memory_space<hbm>> -> memref<112xi32, #tpu.memory_space<hbm>>
        tpu.enqueue_dma source(%dma_start3A_271 : memref<112xi32, #tpu.memory_space<hbm>>) target(%arg8 : memref<112xi32, #tpu.memory_space<vmem>>) target_semaphore(%arg16 : memref<!tpu.dma_semaphore, #tpu.memory_space<semaphore_mem>>)
        %dma_start3A_272 = arith.constant 0 : i32
        %dma_start3A_273 = tpu.memref_slice %arg3[%arg1, %add3A_265, %dma_start3A_272] : memref<16x90x112xi32, #tpu.memory_space<hbm>> -> memref<1x1x112xi32, #tpu.memory_space<hbm>>
        %dma_start3A_274 = tpu.memref_squeeze %dma_start3A_273 : memref<1x1x112xi32, #tpu.memory_space<hbm>> -> memref<112xi32, #tpu.memory_space<hbm>>
        %dma_start3A_275 = arith.constant 0 : i32
        %dma_start3A_276 = tpu.memref_slice %arg3[%arg1, %add3A_265, %dma_start3A_275] : memref<16x90x112xi32, #tpu.memory_space<hbm>> -> memref<1x1x112xi32, #tpu.memory_space<hbm>>
        %dma_start3A_277 = tpu.memref_squeeze %dma_start3A_276 : memref<1x1x112xi32, #tpu.memory_space<hbm>> -> memref<112xi32, #tpu.memory_space<hbm>>
        tpu.enqueue_dma source(%dma_start3A_277 : memref<112xi32, #tpu.memory_space<hbm>>) target(%arg10 : memref<112xi32, #tpu.memory_space<vmem>>) target_semaphore(%arg16 : memref<!tpu.dma_semaphore, #tpu.memory_space<semaphore_mem>>)
        %add3A_278 = arith.constant 2 : i32
        %add3A_279 = arith.addi %mul3A_142, %add3A_278 : i32
        %dma_wait3A_280 = arith.constant 0 : i32
        %dma_wait3A_281 = tpu.memref_slice %arg2[%arg1, %add3A_279, %dma_wait3A_280] : memref<16x90x112xi32, #tpu.memory_space<hbm>> -> memref<1x1x112xi32, #tpu.memory_space<hbm>>
        %dma_wait3A_282 = tpu.memref_squeeze %dma_wait3A_281 : memref<1x1x112xi32, #tpu.memory_space<hbm>> -> memref<112xi32, #tpu.memory_space<hbm>>
        %dma_wait3A_283 = arith.constant 0 : i32
        %dma_wait3A_284 = tpu.memref_slice %arg2[%arg1, %add3A_279, %dma_wait3A_283] : memref<16x90x112xi32, #tpu.memory_space<hbm>> -> memref<1x1x112xi32, #tpu.memory_space<hbm>>
        %dma_wait3A_285 = tpu.memref_squeeze %dma_wait3A_284 : memref<1x1x112xi32, #tpu.memory_space<hbm>> -> memref<112xi32, #tpu.memory_space<hbm>>
        tpu.wait_dma2 semaphore(%arg16 : memref<!tpu.dma_semaphore, #tpu.memory_space<semaphore_mem>>) src(%dma_wait3A_285 : memref<112xi32, #tpu.memory_space<hbm>>) dst(%arg8 : memref<112xi32, #tpu.memory_space<vmem>>)
        %dma_wait3A_286 = arith.constant 0 : i32
        %dma_wait3A_287 = tpu.memref_slice %arg3[%arg1, %add3A_279, %dma_wait3A_286] : memref<16x90x112xi32, #tpu.memory_space<hbm>> -> memref<1x1x112xi32, #tpu.memory_space<hbm>>
        %dma_wait3A_288 = tpu.memref_squeeze %dma_wait3A_287 : memref<1x1x112xi32, #tpu.memory_space<hbm>> -> memref<112xi32, #tpu.memory_space<hbm>>
        %dma_wait3A_289 = arith.constant 0 : i32
        %dma_wait3A_290 = tpu.memref_slice %arg3[%arg1, %add3A_279, %dma_wait3A_289] : memref<16x90x112xi32, #tpu.memory_space<hbm>> -> memref<1x1x112xi32, #tpu.memory_space<hbm>>
        %dma_wait3A_291 = tpu.memref_squeeze %dma_wait3A_290 : memref<1x1x112xi32, #tpu.memory_space<hbm>> -> memref<112xi32, #tpu.memory_space<hbm>>
        tpu.wait_dma2 semaphore(%arg16 : memref<!tpu.dma_semaphore, #tpu.memory_space<semaphore_mem>>) src(%dma_wait3A_291 : memref<112xi32, #tpu.memory_space<hbm>>) dst(%arg10 : memref<112xi32, #tpu.memory_space<vmem>>)
        %get3A_292 = arith.constant 0 : index
        %get3A_293 = tpu.vector_load %arg8[%get3A_292] {strides = array<i32>} : memref<112xi32, #tpu.memory_space<vmem>>, vector<16xi32>,
        %get3A_294 = vector.shape_cast %get3A_293 : vector<16xi32> to vector<16xi32>
        %mul3A_295 = arith.constant 2 : i32
        %mul3A_296 = vector.broadcast %mul3A_295 : i32 to vector<16xi32>
        %mul3A_297 = arith.muli %get3A_294, %mul3A_296 : vector<16xi32>
        %add3A_298 = vector.broadcast %arg0 : i32 to vector<16xi32>
        %add3A_299 = arith.addi %mul3A_297, %add3A_298 : vector<16xi32>
        %swap3A_300 = arith.constant 0 : index
        %swap3A_301 = tpu.vector_load %arg8[%swap3A_300] {strides = array<i32>} : memref<112xi32, #tpu.memory_space<vmem>>, vector<16xi32>,
        %swap3A_302 = vector.shape_cast %swap3A_301 : vector<16xi32> to vector<16xi32>
        %swap3A_303 = vector.shape_cast %add3A_299 : vector<16xi32> to vector<16xi32>
        tpu.vector_store %arg8[%swap3A_300], %swap3A_303 {strides = array<i32>} : memref<112xi32, #tpu.memory_space<vmem>>, vector<16xi32>,
        %get3A_304 = arith.constant 16 : index
        %get3A_305 = tpu.vector_load %arg8[%get3A_304] {strides = array<i32>} : memref<112xi32, #tpu.memory_space<vmem>>, vector<16xi32>,
        %get3A_306 = vector.shape_cast %get3A_305 : vector<16xi32> to vector<16xi32>
        %mul3A_307 = arith.constant 2 : i32
        %mul3A_308 = vector.broadcast %mul3A_307 : i32 to vector<16xi32>
        %mul3A_309 = arith.muli %get3A_306, %mul3A_308 : vector<16xi32>
        %add3A_310 = vector.broadcast %arg0 : i32 to vector<16xi32>
        %add3A_311 = arith.addi %mul3A_309, %add3A_310 : vector<16xi32>
        %swap3A_312 = arith.constant 16 : index
        %swap3A_313 = tpu.vector_load %arg8[%swap3A_312] {strides = array<i32>} : memref<112xi32, #tpu.memory_space<vmem>>, vector<16xi32>,
        %swap3A_314 = vector.shape_cast %swap3A_313 : vector<16xi32> to vector<16xi32>
        %swap3A_315 = vector.shape_cast %add3A_311 : vector<16xi32> to vector<16xi32>
        tpu.vector_store %arg8[%swap3A_312], %swap3A_315 {strides = array<i32>} : memref<112xi32, #tpu.memory_space<vmem>>, vector<16xi32>,
        %get3A_316 = arith.constant 32 : index
        %get3A_317 = tpu.vector_load %arg8[%get3A_316] {strides = array<i32>} : memref<112xi32, #tpu.memory_space<vmem>>, vector<16xi32>,
        %get3A_318 = vector.shape_cast %get3A_317 : vector<16xi32> to vector<16xi32>
        %mul3A_319 = arith.constant 2 : i32
        %mul3A_320 = vector.broadcast %mul3A_319 : i32 to vector<16xi32>
        %mul3A_321 = arith.muli %get3A_318, %mul3A_320 : vector<16xi32>
        %add3A_322 = vector.broadcast %arg0 : i32 to vector<16xi32>
        %add3A_323 = arith.addi %mul3A_321, %add3A_322 : vector<16xi32>
        %swap3A_324 = arith.constant 32 : index
        %swap3A_325 = tpu.vector_load %arg8[%swap3A_324] {strides = array<i32>} : memref<112xi32, #tpu.memory_space<vmem>>, vector<16xi32>,
        %swap3A_326 = vector.shape_cast %swap3A_325 : vector<16xi32> to vector<16xi32>
        %swap3A_327 = vector.shape_cast %add3A_323 : vector<16xi32> to vector<16xi32>
        tpu.vector_store %arg8[%swap3A_324], %swap3A_327 {strides = array<i32>} : memref<112xi32, #tpu.memory_space<vmem>>, vector<16xi32>,
        %get3A_328 = arith.constant 48 : index
        %get3A_329 = tpu.vector_load %arg8[%get3A_328] {strides = array<i32>} : memref<112xi32, #tpu.memory_space<vmem>>, vector<16xi32>,
        %get3A_330 = vector.shape_cast %get3A_329 : vector<16xi32> to vector<16xi32>
        %mul3A_331 = arith.constant 2 : i32
        %mul3A_332 = vector.broadcast %mul3A_331 : i32 to vector<16xi32>
        %mul3A_333 = arith.muli %get3A_330, %mul3A_332 : vector<16xi32>
        %add3A_334 = vector.broadcast %arg0 : i32 to vector<16xi32>
        %add3A_335 = arith.addi %mul3A_333, %add3A_334 : vector<16xi32>
        %swap3A_336 = arith.constant 48 : index
        %swap3A_337 = tpu.vector_load %arg8[%swap3A_336] {strides = array<i32>} : memref<112xi32, #tpu.memory_space<vmem>>, vector<16xi32>,
        %swap3A_338 = vector.shape_cast %swap3A_337 : vector<16xi32> to vector<16xi32>
        %swap3A_339 = vector.shape_cast %add3A_335 : vector<16xi32> to vector<16xi32>
        tpu.vector_store %arg8[%swap3A_336], %swap3A_339 {strides = array<i32>} : memref<112xi32, #tpu.memory_space<vmem>>, vector<16xi32>,
        %get3A_340 = arith.constant 64 : index
        %get3A_341 = tpu.vector_load %arg8[%get3A_340] {strides = array<i32>} : memref<112xi32, #tpu.memory_space<vmem>>, vector<16xi32>,
        %get3A_342 = vector.shape_cast %get3A_341 : vector<16xi32> to vector<16xi32>
        %mul3A_343 = arith.constant 2 : i32
        %mul3A_344 = vector.broadcast %mul3A_343 : i32 to vector<16xi32>
        %mul3A_345 = arith.muli %get3A_342, %mul3A_344 : vector<16xi32>
        %add3A_346 = vector.broadcast %arg0 : i32 to vector<16xi32>
        %add3A_347 = arith.addi %mul3A_345, %add3A_346 : vector<16xi32>
        %swap3A_348 = arith.constant 64 : index
        %swap3A_349 = tpu.vector_load %arg8[%swap3A_348] {strides = array<i32>} : memref<112xi32, #tpu.memory_space<vmem>>, vector<16xi32>,
        %swap3A_350 = vector.shape_cast %swap3A_349 : vector<16xi32> to vector<16xi32>
        %swap3A_351 = vector.shape_cast %add3A_347 : vector<16xi32> to vector<16xi32>
        tpu.vector_store %arg8[%swap3A_348], %swap3A_351 {strides = array<i32>} : memref<112xi32, #tpu.memory_space<vmem>>, vector<16xi32>,
        %get3A_352 = arith.constant 80 : index
        %get3A_353 = tpu.vector_load %arg8[%get3A_352] {strides = array<i32>} : memref<112xi32, #tpu.memory_space<vmem>>, vector<16xi32>,
        %get3A_354 = vector.shape_cast %get3A_353 : vector<16xi32> to vector<16xi32>
        %mul3A_355 = arith.constant 2 : i32
        %mul3A_356 = vector.broadcast %mul3A_355 : i32 to vector<16xi32>
        %mul3A_357 = arith.muli %get3A_354, %mul3A_356 : vector<16xi32>
        %add3A_358 = vector.broadcast %arg0 : i32 to vector<16xi32>
        %add3A_359 = arith.addi %mul3A_357, %add3A_358 : vector<16xi32>
        %swap3A_360 = arith.constant 80 : index
        %swap3A_361 = tpu.vector_load %arg8[%swap3A_360] {strides = array<i32>} : memref<112xi32, #tpu.memory_space<vmem>>, vector<16xi32>,
        %swap3A_362 = vector.shape_cast %swap3A_361 : vector<16xi32> to vector<16xi32>
        %swap3A_363 = vector.shape_cast %add3A_359 : vector<16xi32> to vector<16xi32>
        tpu.vector_store %arg8[%swap3A_360], %swap3A_363 {strides = array<i32>} : memref<112xi32, #tpu.memory_space<vmem>>, vector<16xi32>,
        %get3A_364 = arith.constant 96 : index
        %get3A_365 = tpu.vector_load %arg8[%get3A_364] {strides = array<i32>} : memref<112xi32, #tpu.memory_space<vmem>>, vector<16xi32>,
        %get3A_366 = vector.shape_cast %get3A_365 : vector<16xi32> to vector<16xi32>
        %mul3A_367 = arith.constant 2 : i32
        %mul3A_368 = vector.broadcast %mul3A_367 : i32 to vector<16xi32>
        %mul3A_369 = arith.muli %get3A_366, %mul3A_368 : vector<16xi32>
        %add3A_370 = vector.broadcast %arg0 : i32 to vector<16xi32>
        %add3A_371 = arith.addi %mul3A_369, %add3A_370 : vector<16xi32>
        %swap3A_372 = arith.constant 96 : index
        %swap3A_373 = tpu.vector_load %arg8[%swap3A_372] {strides = array<i32>} : memref<112xi32, #tpu.memory_space<vmem>>, vector<16xi32>,
        %swap3A_374 = vector.shape_cast %swap3A_373 : vector<16xi32> to vector<16xi32>
        %swap3A_375 = vector.shape_cast %add3A_371 : vector<16xi32> to vector<16xi32>
        tpu.vector_store %arg8[%swap3A_372], %swap3A_375 {strides = array<i32>} : memref<112xi32, #tpu.memory_space<vmem>>, vector<16xi32>,
        %dma_start3A_376 = arith.constant 0 : i32
        %dma_start3A_377 = arith.constant 0 : i32
        %dma_start3A_378 = tpu.memref_slice %arg4[%dma_start3A_376, %dma_start3A_377] : memref<20000x128xf32, #tpu.memory_space<hbm>> -> memref<20000x128xf32, #tpu.memory_space<hbm>>
        tpu.enqueue_indirect_dma source(%dma_start3A_378 : memref<20000x128xf32, #tpu.memory_space<hbm>>) target(%arg12 : memref<112x128xf32, #tpu.memory_space<vmem>>) offsets(%arg8 : memref<112xi32, #tpu.memory_space<vmem>>) semaphore(%arg14 : memref<!tpu.dma_semaphore, #tpu.memory_space<semaphore_mem>>)
      } else {
      }
      %dma_wait3A_254 = arith.constant 0 : i32
      %dma_wait3A_255 = arith.constant 0 : i32
      %dma_wait3A_256 = tpu.memref_slice %arg4[%dma_wait3A_254, %dma_wait3A_255] : memref<20000x128xf32, #tpu.memory_space<hbm>> -> memref<20000x128xf32, #tpu.memory_space<hbm>>
      tpu.wait_indirect_dma semaphore(%arg15 : memref<!tpu.dma_semaphore, #tpu.memory_space<semaphore_mem>>) src(%dma_wait3A_256 : memref<20000x128xf32, #tpu.memory_space<hbm>>) dst(%arg13 : memref<112x128xf32, #tpu.memory_space<vmem>>)
      "tpu.region"() ({
        %run_scoped3A = tpu.sem_alloc : memref<!tpu.dma_semaphore, #tpu.memory_space<semaphore_mem>>
        %dma_start3A_264 = arith.constant 0 : i32
        %dma_start3A_265 = arith.constant 0 : i32
        %dma_start3A_266 = tpu.memref_slice %arg7[%dma_start3A_264, %dma_start3A_265] : memref<10016x128xf32, #tpu.memory_space<vmem_shared>> -> memref<10016x128xf32, #tpu.memory_space<vmem_shared>>
        tpu.enqueue_indirect_dma source(%arg13 : memref<112x128xf32, #tpu.memory_space<vmem>>) target(%dma_start3A_266 : memref<10016x128xf32, #tpu.memory_space<vmem_shared>>) offsets(%arg11 : memref<112xi32, #tpu.memory_space<vmem>>) semaphore(%run_scoped3A : memref<!tpu.dma_semaphore, #tpu.memory_space<semaphore_mem>>) {add = true}
        %dma_wait3A_267 = arith.constant 0 : i32
        %dma_wait3A_268 = arith.constant 0 : i32
        %dma_wait3A_269 = tpu.memref_slice %arg7[%dma_wait3A_267, %dma_wait3A_268] : memref<10016x128xf32, #tpu.memory_space<vmem_shared>> -> memref<10016x128xf32, #tpu.memory_space<vmem_shared>>
        tpu.wait_indirect_dma semaphore(%run_scoped3A : memref<!tpu.dma_semaphore, #tpu.memory_space<semaphore_mem>>) src(%arg13 : memref<112x128xf32, #tpu.memory_space<vmem>>) dst(%dma_wait3A_269 : memref<10016x128xf32, #tpu.memory_space<vmem_shared>>)
        tpu.yield
      }) : () -> ()
      %add3A_257 = arith.constant 3 : i32
      %add3A_258 = arith.addi %mul3A_142, %add3A_257 : i32
      %lt3A_259 = arith.constant 90 : i32
      %lt3A_260 = arith.cmpi slt, %add3A_258, %lt3A_259 : i32
      %convert_element_type3A_261 = arith.extui %lt3A_260 : i1 to i32
      %cond3A_262 = arith.constant 0 : i32
      %cond3A_263 = arith.cmpi ne, %convert_element_type3A_261, %cond3A_262 : i32
      scf.if %cond3A_263 {
        %add3A_264 = arith.constant 3 : i32
        %add3A_265 = arith.addi %mul3A_142, %add3A_264 : i32
        %dma_start3A_266 = arith.constant 0 : i32
        %dma_start3A_267 = tpu.memref_slice %arg2[%arg1, %add3A_265, %dma_start3A_266] : memref<16x90x112xi32, #tpu.memory_space<hbm>> -> memref<1x1x112xi32, #tpu.memory_space<hbm>>
        %dma_start3A_268 = tpu.memref_squeeze %dma_start3A_267 : memref<1x1x112xi32, #tpu.memory_space<hbm>> -> memref<112xi32, #tpu.memory_space<hbm>>
        %dma_start3A_269 = arith.constant 0 : i32
        %dma_start3A_270 = tpu.memref_slice %arg2[%arg1, %add3A_265, %dma_start3A_269] : memref<16x90x112xi32, #tpu.memory_space<hbm>> -> memref<1x1x112xi32, #tpu.memory_space<hbm>>
        %dma_start3A_271 = tpu.memref_squeeze %dma_start3A_270 : memref<1x1x112xi32, #tpu.memory_space<hbm>> -> memref<112xi32, #tpu.memory_space<hbm>>
        tpu.enqueue_dma source(%dma_start3A_271 : memref<112xi32, #tpu.memory_space<hbm>>) target(%arg9 : memref<112xi32, #tpu.memory_space<vmem>>) target_semaphore(%arg17 : memref<!tpu.dma_semaphore, #tpu.memory_space<semaphore_mem>>)
        %dma_start3A_272 = arith.constant 0 : i32
        %dma_start3A_273 = tpu.memref_slice %arg3[%arg1, %add3A_265, %dma_start3A_272] : memref<16x90x112xi32, #tpu.memory_space<hbm>> -> memref<1x1x112xi32, #tpu.memory_space<hbm>>
        %dma_start3A_274 = tpu.memref_squeeze %dma_start3A_273 : memref<1x1x112xi32, #tpu.memory_space<hbm>> -> memref<112xi32, #tpu.memory_space<hbm>>
        %dma_start3A_275 = arith.constant 0 : i32
        %dma_start3A_276 = tpu.memref_slice %arg3[%arg1, %add3A_265, %dma_start3A_275] : memref<16x90x112xi32, #tpu.memory_space<hbm>> -> memref<1x1x112xi32, #tpu.memory_space<hbm>>
        %dma_start3A_277 = tpu.memref_squeeze %dma_start3A_276 : memref<1x1x112xi32, #tpu.memory_space<hbm>> -> memref<112xi32, #tpu.memory_space<hbm>>
        tpu.enqueue_dma source(%dma_start3A_277 : memref<112xi32, #tpu.memory_space<hbm>>) target(%arg11 : memref<112xi32, #tpu.memory_space<vmem>>) target_semaphore(%arg17 : memref<!tpu.dma_semaphore, #tpu.memory_space<semaphore_mem>>)
      } else {
      }
    }
    %scan3A_133 = arith.constant 45 : i32
    %barrier3A_134 = arith.constant 0 : index
    tpu.barrier barrier_id(%barrier3A_134)
    %lt3A_135 = arith.constant 10 : i32
    %lt3A_136 = arith.cmpi slt, %arg1, %lt3A_135 : i32
    %convert_element_type3A_137 = arith.extui %lt3A_136 : i1 to i32
    %cond3A_138 = arith.constant 0 : i32
    %cond3A_139 = arith.cmpi ne, %convert_element_type3A_137, %cond3A_138 : i32
    scf.if %cond3A_139 {
      %mul3A_140 = arith.constant 1000 : i32
      %mul3A_141 = arith.muli %arg1, %mul3A_140 : i32
      %mul3A_142 = arith.constant 1000 : i32
      %mul3A_143 = arith.muli %arg1, %mul3A_142 : i32
      "tpu.region"() ({
        %run_scoped3A = tpu.sem_alloc : memref<!tpu.dma_semaphore, #tpu.memory_space<semaphore_mem>>
        %dma_start3A_144 = arith.constant 0 : i32
        %dma_start3A_145 = tpu.memref_slice %arg6[%arg0, %mul3A_143, %dma_start3A_144] : memref<2x10000x128xf32, #tpu.memory_space<hbm>> -> memref<1x1000x128xf32, #tpu.memory_space<hbm>>
        %dma_start3A_146 = tpu.memref_squeeze %dma_start3A_145 : memref<1x1000x128xf32, #tpu.memory_space<hbm>> -> memref<1000x128xf32, #tpu.memory_space<hbm>>
        %dma_start3A_147 = arith.constant 0 : i32
        %dma_start3A_148 = tpu.memref_slice %arg7[%mul3A_141, %dma_start3A_147] : memref<10016x128xf32, #tpu.memory_space<vmem_shared>> -> memref<1000x128xf32, #tpu.memory_space<vmem_shared>>
        tpu.enqueue_dma source(%dma_start3A_148 : memref<1000x128xf32, #tpu.memory_space<vmem_shared>>) target(%dma_start3A_146 : memref<1000x128xf32, #tpu.memory_space<hbm>>) target_semaphore(%run_scoped3A : memref<!tpu.dma_semaphore, #tpu.memory_space<semaphore_mem>>)
        %dma_wait3A_149 = arith.constant 0 : i32
        %dma_wait3A_150 = tpu.memref_slice %arg6[%arg0, %mul3A_143, %dma_wait3A_149] : memref<2x10000x128xf32, #tpu.memory_space<hbm>> -> memref<1x1000x128xf32, #tpu.memory_space<hbm>>
        %dma_wait3A_151 = tpu.memref_squeeze %dma_wait3A_150 : memref<1x1000x128xf32, #tpu.memory_space<hbm>> -> memref<1000x128xf32, #tpu.memory_space<hbm>>
        %dma_wait3A_152 = arith.constant 0 : i32
        %dma_wait3A_153 = tpu.memref_slice %arg7[%mul3A_141, %dma_wait3A_152] : memref<10016x128xf32, #tpu.memory_space<vmem_shared>> -> memref<1000x128xf32, #tpu.memory_space<vmem_shared>>
        tpu.wait_dma2 semaphore(%run_scoped3A : memref<!tpu.dma_semaphore, #tpu.memory_space<semaphore_mem>>) src(%dma_wait3A_153 : memref<1000x128xf32, #tpu.memory_space<vmem_shared>>) dst(%dma_wait3A_151 : memref<1000x128xf32, #tpu.memory_space<hbm>>)
        tpu.yield
      }) : () -> ()
    } else {
    }
    return
  }
}

module attributes {stable_mosaic.version = 14 : i64} {
  func.func @_dense_pre_body(%arg0: i32, %arg1: memref<5000x256xf32, #tpu.memory_space<vmem>>, %arg2: memref<1x256xf32, #tpu.memory_space<vmem>>, %arg3: memref<256x256xf32, #tpu.memory_space<vmem>>, %arg4: memref<1x256xf32, #tpu.memory_space<vmem>>, %arg5: memref<1x256xf32, #tpu.memory_space<vmem>>, %arg6: memref<256x256xf32, #tpu.memory_space<vmem>>, %arg7: memref<1x256xf32, #tpu.memory_space<vmem>>, %arg8: memref<5000x256xf32, #tpu.memory_space<vmem>>) attributes {dimension_semantics = [#tpu.dimension_semantics<arbitrary>], iteration_bounds = array<i64: 2>, scalar_prefetch = 0 : i64, scratch_operands = 0 : i64, tpu.core_type = #tpu.core_type<tc>, window_params = [{transform_indices = @transform_0, window_bounds = array<i64: 5000, 256>}, {pipeline_mode = #tpu.pipeline_mode<synchronous>, transform_indices = @transform_1, window_bounds = array<i64: 1, 256>}, {pipeline_mode = #tpu.pipeline_mode<synchronous>, transform_indices = @transform_2, window_bounds = array<i64: 256, 256>}, {pipeline_mode = #tpu.pipeline_mode<synchronous>, transform_indices = @transform_3, window_bounds = array<i64: 1, 256>}, {pipeline_mode = #tpu.pipeline_mode<synchronous>, transform_indices = @transform_4, window_bounds = array<i64: 1, 256>}, {pipeline_mode = #tpu.pipeline_mode<synchronous>, transform_indices = @transform_5, window_bounds = array<i64: 256, 256>}, {pipeline_mode = #tpu.pipeline_mode<synchronous>, transform_indices = @transform_6, window_bounds = array<i64: 1, 256>}, {transform_indices = @transform_7, window_bounds = array<i64: 5000, 256>}]} {
    %get3A = arith.constant 0 : index
    %get3A_0 = arith.constant 0 : index
    %get3A_1 = vector.load %arg2[%get3A, %get3A_0] : memref<1x256xf32, #tpu.memory_space<vmem>>, vector<1x256xf32>
    %get3A_2 = arith.constant 0 : index
    %get3A_3 = arith.constant 0 : index
    %get3A_4 = vector.load %arg1[%get3A_2, %get3A_3] : memref<5000x256xf32, #tpu.memory_space<vmem>>, vector<5000x256xf32>
    %get3A_5 = arith.constant 0 : index
    %get3A_6 = arith.constant 0 : index
    %get3A_7 = vector.load %arg3[%get3A_5, %get3A_6] : memref<256x256xf32, #tpu.memory_space<vmem>>, vector<256x256xf32>
    %get3A_8 = arith.constant 0 : index
    %get3A_9 = arith.constant 0 : index
    %get3A_10 = vector.load %arg4[%get3A_8, %get3A_9] : memref<1x256xf32, #tpu.memory_space<vmem>>, vector<1x256xf32>
    %get3A_11 = arith.constant 0 : index
    %get3A_12 = arith.constant 0 : index
    %get3A_13 = vector.load %arg5[%get3A_11, %get3A_12] : memref<1x256xf32, #tpu.memory_space<vmem>>, vector<1x256xf32>
    %dot_general3A = arith.constant dense<0.000000e+00> : vector<5000x256xf32>
    %dot_general3A_14 = tpu.matmul %get3A_4, %get3A_7, %dot_general3A {dimension_numbers = #tpu.dot_dimension_numbers<[1], [1], [0], [0], [0, 0, 1, 0], [], []>, transpose_lhs_hint = false} : vector<5000x256xf32>, vector<256x256xf32>, vector<5000x256xf32> -> vector<5000x256xf32>
    %add3A = vector.broadcast %get3A_10 : vector<1x256xf32> to vector<5000x256xf32>
    %add3A_15 = arith.addf %dot_general3A_14, %add3A : vector<5000x256xf32>
    %mul3A = vector.broadcast %get3A_1 : vector<1x256xf32> to vector<5000x256xf32>
    %mul3A_16 = arith.mulf %add3A_15, %mul3A : vector<5000x256xf32>
    %dot_general3A_17 = arith.constant dense<0.000000e+00> : vector<5000x256xf32>
    %dot_general3A_18 = tpu.matmul %mul3A_16, %get3A_7, %dot_general3A_17 {dimension_numbers = #tpu.dot_dimension_numbers<[1], [1], [0], [0], [0, 0, 1, 0], [], []>, transpose_lhs_hint = false} : vector<5000x256xf32>, vector<256x256xf32>, vector<5000x256xf32> -> vector<5000x256xf32>
    %mul3A_19 = vector.broadcast %get3A_1 : vector<1x256xf32> to vector<256x256xf32>
    %mul3A_20 = arith.mulf %get3A_7, %mul3A_19 : vector<256x256xf32>
    %mul3A_21 = arith.mulf %mul3A_20, %mul3A_20 : vector<256x256xf32>
    %reduce_sum3A = arith.constant dense<0.000000e+00> : vector<256xf32>
    %reduce_sum3A_22 = vector.multi_reduction <add>, %mul3A_21, %reduce_sum3A [1] : vector<256x256xf32> to vector<256xf32>
    %add3A_23 = arith.constant 9.99999993E-9 : f32
    %add3A_24 = vector.broadcast %add3A_23 : f32 to vector<256xf32>
    %add3A_25 = arith.addf %reduce_sum3A_22, %add3A_24 : vector<256xf32>
    %rsqrt3A = math.rsqrt %add3A_25 : vector<256xf32>
    %reshape3A = vector.shape_cast %rsqrt3A : vector<256xf32> to vector<1x256xf32>
    %mul3A_26 = vector.broadcast %reshape3A : vector<1x256xf32> to vector<5000x256xf32>
    %mul3A_27 = arith.mulf %dot_general3A_18, %mul3A_26 : vector<5000x256xf32>
    %add3A_28 = vector.broadcast %get3A_13 : vector<1x256xf32> to vector<5000x256xf32>
    %add3A_29 = arith.addf %mul3A_27, %add3A_28 : vector<5000x256xf32>
    %add3A_30 = vector.broadcast %get3A_10 : vector<1x256xf32> to vector<5000x256xf32>
    %add3A_31 = arith.addf %add3A_29, %add3A_30 : vector<5000x256xf32>
    %ge3A = arith.constant 0.000000e+00 : f32
    %ge3A_32 = vector.broadcast %ge3A : f32 to vector<5000x256xf32>
    %ge3A_33 = arith.cmpf oge, %add3A_31, %ge3A_32 : vector<5000x256xf32>
    %mul3A_34 = arith.constant 0.00999999977 : f32
    %mul3A_35 = vector.broadcast %mul3A_34 : f32 to vector<5000x256xf32>
    %mul3A_36 = arith.mulf %mul3A_35, %add3A_31 : vector<5000x256xf32>
    %select_n3A = arith.select %ge3A_33, %add3A_31, %mul3A_36 : vector<5000x256xi1>, vector<5000x256xf32>
    %get3A_37 = arith.constant 0 : index
    %get3A_38 = arith.constant 0 : index
    %get3A_39 = vector.load %arg6[%get3A_37, %get3A_38] : memref<256x256xf32, #tpu.memory_space<vmem>>, vector<256x256xf32>
    %dot_general3A_40 = arith.constant dense<0.000000e+00> : vector<5000x256xf32>
    %dot_general3A_41 = tpu.matmul %select_n3A, %get3A_39, %dot_general3A_40 {dimension_numbers = #tpu.dot_dimension_numbers<[1], [1], [0], [0], [0, 0, 1, 0], [], []>, transpose_lhs_hint = false} : vector<5000x256xf32>, vector<256x256xf32>, vector<5000x256xf32> -> vector<5000x256xf32>
    %add3A_42 = arith.addf %select_n3A, %dot_general3A_41 : vector<5000x256xf32>
    %get3A_43 = arith.constant 0 : index
    %get3A_44 = arith.constant 0 : index
    %get3A_45 = vector.load %arg7[%get3A_43, %get3A_44] : memref<1x256xf32, #tpu.memory_space<vmem>>, vector<1x256xf32>
    %add3A_46 = vector.broadcast %get3A_45 : vector<1x256xf32> to vector<5000x256xf32>
    %add3A_47 = arith.addf %add3A_42, %add3A_46 : vector<5000x256xf32>
    %swap3A = arith.constant 0 : index
    %swap3A_48 = arith.constant 0 : index
    %swap3A_49 = vector.load %arg8[%swap3A, %swap3A_48] : memref<5000x256xf32, #tpu.memory_space<vmem>>, vector<5000x256xf32>
    tpu.vector_store %arg8[%swap3A, %swap3A_48], %add3A_47 {strides = array<i32>} : memref<5000x256xf32, #tpu.memory_space<vmem>>, vector<5000x256xf32>,
    return
  }
  func.func @transform_0(%arg0: i32) -> (i32, i32) {
    %c0_i32 = arith.constant 0 : i32
    %c0_i32_0 = arith.constant 0 : i32
    return %arg0, %c0_i32 : i32, i32
  }
  func.func @transform_1(%arg0: i32) -> (i32, i32) {
    %c0_i32 = arith.constant 0 : i32
    %c0_i32_0 = arith.constant 0 : i32
    %c0_i32_1 = arith.constant 0 : i32
    return %c0_i32, %c0_i32_0 : i32, i32
  }
  func.func @transform_2(%arg0: i32) -> (i32, i32) {
    %c0_i32 = arith.constant 0 : i32
    %c0_i32_0 = arith.constant 0 : i32
    %c0_i32_1 = arith.constant 0 : i32
    return %c0_i32, %c0_i32_0 : i32, i32
  }
  func.func @transform_3(%arg0: i32) -> (i32, i32) {
    %c0_i32 = arith.constant 0 : i32
    %c0_i32_0 = arith.constant 0 : i32
    %c0_i32_1 = arith.constant 0 : i32
    return %c0_i32, %c0_i32_0 : i32, i32
  }
  func.func @transform_4(%arg0: i32) -> (i32, i32) {
    %c0_i32 = arith.constant 0 : i32
    %c0_i32_0 = arith.constant 0 : i32
    %c0_i32_1 = arith.constant 0 : i32
    return %c0_i32, %c0_i32_0 : i32, i32
  }
  func.func @transform_5(%arg0: i32) -> (i32, i32) {
    %c0_i32 = arith.constant 0 : i32
    %c0_i32_0 = arith.constant 0 : i32
    %c0_i32_1 = arith.constant 0 : i32
    return %c0_i32, %c0_i32_0 : i32, i32
  }
  func.func @transform_6(%arg0: i32) -> (i32, i32) {
    %c0_i32 = arith.constant 0 : i32
    %c0_i32_0 = arith.constant 0 : i32
    %c0_i32_1 = arith.constant 0 : i32
    return %c0_i32, %c0_i32_0 : i32, i32
  }
  func.func @transform_7(%arg0: i32) -> (i32, i32) {
    %c0_i32 = arith.constant 0 : i32
    %c0_i32_0 = arith.constant 0 : i32
    return %arg0, %c0_i32 : i32, i32
  }
}

module attributes {stable_mosaic.version = 14 : i64} {
  func.func @_dense_post_body(%arg0: i32, %arg1: memref<5000x128xf32, #tpu.memory_space<vmem>>, %arg2: memref<5000x128xf32, #tpu.memory_space<vmem>>, %arg3: memref<5000x256xf32, #tpu.memory_space<vmem>>, %arg4: memref<1x256xf32, #tpu.memory_space<vmem>>, %arg5: memref<1x256xf32, #tpu.memory_space<vmem>>, %arg6: memref<256x256xf32, #tpu.memory_space<vmem>>, %arg7: memref<1x256xf32, #tpu.memory_space<vmem>>, %arg8: memref<256x256xf32, #tpu.memory_space<vmem>>, %arg9: memref<1x256xf32, #tpu.memory_space<vmem>>, %arg10: memref<1x256xf32, #tpu.memory_space<vmem>>, %arg11: memref<256x256xf32, #tpu.memory_space<vmem>>, %arg12: memref<1x256xf32, #tpu.memory_space<vmem>>, %arg13: memref<1x256xf32, #tpu.memory_space<vmem>>, %arg14: memref<5000x256xf32, #tpu.memory_space<vmem>>) attributes {dimension_semantics = [#tpu.dimension_semantics<arbitrary>], iteration_bounds = array<i64: 2>, scalar_prefetch = 0 : i64, scratch_operands = 0 : i64, tpu.core_type = #tpu.core_type<tc>, window_params = [{transform_indices = @transform_0, window_bounds = array<i64: 5000, 128>}, {transform_indices = @transform_1, window_bounds = array<i64: 5000, 128>}, {transform_indices = @transform_2, window_bounds = array<i64: 5000, 256>}, {pipeline_mode = #tpu.pipeline_mode<synchronous>, transform_indices = @transform_3, window_bounds = array<i64: 1, 256>}, {pipeline_mode = #tpu.pipeline_mode<synchronous>, transform_indices = @transform_4, window_bounds = array<i64: 1, 256>}, {pipeline_mode = #tpu.pipeline_mode<synchronous>, transform_indices = @transform_5, window_bounds = array<i64: 256, 256>}, {pipeline_mode = #tpu.pipeline_mode<synchronous>, transform_indices = @transform_6, window_bounds = array<i64: 1, 256>}, {pipeline_mode = #tpu.pipeline_mode<synchronous>, transform_indices = @transform_7, window_bounds = array<i64: 256, 256>}, {pipeline_mode = #tpu.pipeline_mode<synchronous>, transform_indices = @transform_8, window_bounds = array<i64: 1, 256>}, {pipeline_mode = #tpu.pipeline_mode<synchronous>, transform_indices = @transform_9, window_bounds = array<i64: 1, 256>}, {pipeline_mode = #tpu.pipeline_mode<synchronous>, transform_indices = @transform_10, window_bounds = array<i64: 256, 256>}, {pipeline_mode = #tpu.pipeline_mode<synchronous>, transform_indices = @transform_11, window_bounds = array<i64: 1, 256>}, {pipeline_mode = #tpu.pipeline_mode<synchronous>, transform_indices = @transform_12, window_bounds = array<i64: 1, 256>}, {transform_indices = @transform_13, window_bounds = array<i64: 5000, 256>}]} {
    %get3A = arith.constant 0 : index
    %get3A_0 = arith.constant 0 : index
    %get3A_1 = vector.load %arg4[%get3A, %get3A_0] : memref<1x256xf32, #tpu.memory_space<vmem>>, vector<1x256xf32>
    %get3A_2 = arith.constant 0 : index
    %get3A_3 = arith.constant 0 : index
    %get3A_4 = vector.load %arg1[%get3A_2, %get3A_3] : memref<5000x128xf32, #tpu.memory_space<vmem>>, vector<5000x128xf32>
    %get3A_5 = arith.constant 0 : index
    %get3A_6 = arith.constant 0 : index
    %get3A_7 = vector.load %arg2[%get3A_5, %get3A_6] : memref<5000x128xf32, #tpu.memory_space<vmem>>, vector<5000x128xf32>
    %concatenate3A = tpu.concatenate %get3A_4, %get3A_7 in 1 : vector<5000x128xf32>, vector<5000x128xf32> -> vector<5000x256xf32>
    %get3A_8 = arith.constant 0 : index
    %get3A_9 = arith.constant 0 : index
    %get3A_10 = vector.load %arg5[%get3A_8, %get3A_9] : memref<1x256xf32, #tpu.memory_space<vmem>>, vector<1x256xf32>
    %add3A = vector.broadcast %get3A_10 : vector<1x256xf32> to vector<5000x256xf32>
    %add3A_11 = arith.addf %concatenate3A, %add3A : vector<5000x256xf32>
    %get3A_12 = arith.constant 0 : index
    %get3A_13 = arith.constant 0 : index
    %get3A_14 = vector.load %arg6[%get3A_12, %get3A_13] : memref<256x256xf32, #tpu.memory_space<vmem>>, vector<256x256xf32>
    %dot_general3A = arith.constant dense<0.000000e+00> : vector<5000x256xf32>
    %dot_general3A_15 = tpu.matmul %add3A_11, %get3A_14, %dot_general3A {dimension_numbers = #tpu.dot_dimension_numbers<[1], [1], [0], [0], [0, 0, 1, 0], [], []>, transpose_lhs_hint = false} : vector<5000x256xf32>, vector<256x256xf32>, vector<5000x256xf32> -> vector<5000x256xf32>
    %add3A_16 = arith.addf %add3A_11, %dot_general3A_15 : vector<5000x256xf32>
    %get3A_17 = arith.constant 0 : index
    %get3A_18 = arith.constant 0 : index
    %get3A_19 = vector.load %arg7[%get3A_17, %get3A_18] : memref<1x256xf32, #tpu.memory_space<vmem>>, vector<1x256xf32>
    %add3A_20 = vector.broadcast %get3A_19 : vector<1x256xf32> to vector<5000x256xf32>
    %add3A_21 = arith.addf %add3A_16, %add3A_20 : vector<5000x256xf32>
    %get3A_22 = arith.constant 0 : index
    %get3A_23 = arith.constant 0 : index
    %get3A_24 = vector.load %arg3[%get3A_22, %get3A_23] : memref<5000x256xf32, #tpu.memory_space<vmem>>, vector<5000x256xf32>
    %add3A_25 = arith.addf %add3A_21, %get3A_24 : vector<5000x256xf32>
    %max3A = arith.constant 0.000000e+00 : f32
    %max3A_26 = vector.broadcast %max3A : f32 to vector<5000x256xf32>
    %max3A_27 = arith.maximumf %add3A_25, %max3A_26 : vector<5000x256xf32>
    %get3A_28 = arith.constant 0 : index
    %get3A_29 = arith.constant 0 : index
    %get3A_30 = vector.load %arg8[%get3A_28, %get3A_29] : memref<256x256xf32, #tpu.memory_space<vmem>>, vector<256x256xf32>
    %get3A_31 = arith.constant 0 : index
    %get3A_32 = arith.constant 0 : index
    %get3A_33 = vector.load %arg9[%get3A_31, %get3A_32] : memref<1x256xf32, #tpu.memory_space<vmem>>, vector<1x256xf32>
    %get3A_34 = arith.constant 0 : index
    %get3A_35 = arith.constant 0 : index
    %get3A_36 = vector.load %arg10[%get3A_34, %get3A_35] : memref<1x256xf32, #tpu.memory_space<vmem>>, vector<1x256xf32>
    %dot_general3A_37 = arith.constant dense<0.000000e+00> : vector<5000x256xf32>
    %dot_general3A_38 = tpu.matmul %max3A_27, %get3A_30, %dot_general3A_37 {dimension_numbers = #tpu.dot_dimension_numbers<[1], [1], [0], [0], [0, 0, 1, 0], [], []>, transpose_lhs_hint = false} : vector<5000x256xf32>, vector<256x256xf32>, vector<5000x256xf32> -> vector<5000x256xf32>
    %add3A_39 = vector.broadcast %get3A_33 : vector<1x256xf32> to vector<5000x256xf32>
    %add3A_40 = arith.addf %dot_general3A_38, %add3A_39 : vector<5000x256xf32>
    %mul3A = vector.broadcast %get3A_1 : vector<1x256xf32> to vector<5000x256xf32>
    %mul3A_41 = arith.mulf %add3A_40, %mul3A : vector<5000x256xf32>
    %dot_general3A_42 = arith.constant dense<0.000000e+00> : vector<5000x256xf32>
    %dot_general3A_43 = tpu.matmul %mul3A_41, %get3A_30, %dot_general3A_42 {dimension_numbers = #tpu.dot_dimension_numbers<[1], [1], [0], [0], [0, 0, 1, 0], [], []>, transpose_lhs_hint = false} : vector<5000x256xf32>, vector<256x256xf32>, vector<5000x256xf32> -> vector<5000x256xf32>
    %mul3A_44 = vector.broadcast %get3A_1 : vector<1x256xf32> to vector<256x256xf32>
    %mul3A_45 = arith.mulf %get3A_30, %mul3A_44 : vector<256x256xf32>
    %mul3A_46 = arith.mulf %mul3A_45, %mul3A_45 : vector<256x256xf32>
    %reduce_sum3A = arith.constant dense<0.000000e+00> : vector<256xf32>
    %reduce_sum3A_47 = vector.multi_reduction <add>, %mul3A_46, %reduce_sum3A [1] : vector<256x256xf32> to vector<256xf32>
    %add3A_48 = arith.constant 9.99999993E-9 : f32
    %add3A_49 = vector.broadcast %add3A_48 : f32 to vector<256xf32>
    %add3A_50 = arith.addf %reduce_sum3A_47, %add3A_49 : vector<256xf32>
    %rsqrt3A = math.rsqrt %add3A_50 : vector<256xf32>
    %reshape3A = vector.shape_cast %rsqrt3A : vector<256xf32> to vector<1x256xf32>
    %mul3A_51 = vector.broadcast %reshape3A : vector<1x256xf32> to vector<5000x256xf32>
    %mul3A_52 = arith.mulf %dot_general3A_43, %mul3A_51 : vector<5000x256xf32>
    %add3A_53 = vector.broadcast %get3A_36 : vector<1x256xf32> to vector<5000x256xf32>
    %add3A_54 = arith.addf %mul3A_52, %add3A_53 : vector<5000x256xf32>
    %add3A_55 = vector.broadcast %get3A_33 : vector<1x256xf32> to vector<5000x256xf32>
    %add3A_56 = arith.addf %add3A_54, %add3A_55 : vector<5000x256xf32>
    %ge3A = arith.constant 0.000000e+00 : f32
    %ge3A_57 = vector.broadcast %ge3A : f32 to vector<5000x256xf32>
    %ge3A_58 = arith.cmpf oge, %add3A_56, %ge3A_57 : vector<5000x256xf32>
    %mul3A_59 = arith.constant 0.00999999977 : f32
    %mul3A_60 = vector.broadcast %mul3A_59 : f32 to vector<5000x256xf32>
    %mul3A_61 = arith.mulf %mul3A_60, %add3A_56 : vector<5000x256xf32>
    %select_n3A = arith.select %ge3A_58, %add3A_56, %mul3A_61 : vector<5000x256xi1>, vector<5000x256xf32>
    %get3A_62 = arith.constant 0 : index
    %get3A_63 = arith.constant 0 : index
    %get3A_64 = vector.load %arg11[%get3A_62, %get3A_63] : memref<256x256xf32, #tpu.memory_space<vmem>>, vector<256x256xf32>
    %get3A_65 = arith.constant 0 : index
    %get3A_66 = arith.constant 0 : index
    %get3A_67 = vector.load %arg12[%get3A_65, %get3A_66] : memref<1x256xf32, #tpu.memory_space<vmem>>, vector<1x256xf32>
    %get3A_68 = arith.constant 0 : index
    %get3A_69 = arith.constant 0 : index
    %get3A_70 = vector.load %arg13[%get3A_68, %get3A_69] : memref<1x256xf32, #tpu.memory_space<vmem>>, vector<1x256xf32>
    %dot_general3A_71 = arith.constant dense<0.000000e+00> : vector<5000x256xf32>
    %dot_general3A_72 = tpu.matmul %select_n3A, %get3A_64, %dot_general3A_71 {dimension_numbers = #tpu.dot_dimension_numbers<[1], [1], [0], [0], [0, 0, 1, 0], [], []>, transpose_lhs_hint = false} : vector<5000x256xf32>, vector<256x256xf32>, vector<5000x256xf32> -> vector<5000x256xf32>
    %add3A_73 = vector.broadcast %get3A_67 : vector<1x256xf32> to vector<5000x256xf32>
    %add3A_74 = arith.addf %dot_general3A_72, %add3A_73 : vector<5000x256xf32>
    %mul3A_75 = vector.broadcast %get3A_1 : vector<1x256xf32> to vector<5000x256xf32>
    %mul3A_76 = arith.mulf %add3A_74, %mul3A_75 : vector<5000x256xf32>
    %dot_general3A_77 = arith.constant dense<0.000000e+00> : vector<5000x256xf32>
    %dot_general3A_78 = tpu.matmul %mul3A_76, %get3A_64, %dot_general3A_77 {dimension_numbers = #tpu.dot_dimension_numbers<[1], [1], [0], [0], [0, 0, 1, 0], [], []>, transpose_lhs_hint = false} : vector<5000x256xf32>, vector<256x256xf32>, vector<5000x256xf32> -> vector<5000x256xf32>
    %mul3A_79 = vector.broadcast %get3A_1 : vector<1x256xf32> to vector<256x256xf32>
    %mul3A_80 = arith.mulf %get3A_64, %mul3A_79 : vector<256x256xf32>
    %mul3A_81 = arith.mulf %mul3A_80, %mul3A_80 : vector<256x256xf32>
    %reduce_sum3A_82 = arith.constant dense<0.000000e+00> : vector<256xf32>
    %reduce_sum3A_83 = vector.multi_reduction <add>, %mul3A_81, %reduce_sum3A_82 [1] : vector<256x256xf32> to vector<256xf32>
    %add3A_84 = arith.constant 9.99999993E-9 : f32
    %add3A_85 = vector.broadcast %add3A_84 : f32 to vector<256xf32>
    %add3A_86 = arith.addf %reduce_sum3A_83, %add3A_85 : vector<256xf32>
    %rsqrt3A_87 = math.rsqrt %add3A_86 : vector<256xf32>
    %reshape3A_88 = vector.shape_cast %rsqrt3A_87 : vector<256xf32> to vector<1x256xf32>
    %mul3A_89 = vector.broadcast %reshape3A_88 : vector<1x256xf32> to vector<5000x256xf32>
    %mul3A_90 = arith.mulf %dot_general3A_78, %mul3A_89 : vector<5000x256xf32>
    %add3A_91 = vector.broadcast %get3A_70 : vector<1x256xf32> to vector<5000x256xf32>
    %add3A_92 = arith.addf %mul3A_90, %add3A_91 : vector<5000x256xf32>
    %add3A_93 = vector.broadcast %get3A_67 : vector<1x256xf32> to vector<5000x256xf32>
    %add3A_94 = arith.addf %add3A_92, %add3A_93 : vector<5000x256xf32>
    %ge3A_95 = arith.constant 0.000000e+00 : f32
    %ge3A_96 = vector.broadcast %ge3A_95 : f32 to vector<5000x256xf32>
    %ge3A_97 = arith.cmpf oge, %add3A_94, %ge3A_96 : vector<5000x256xf32>
    %mul3A_98 = arith.constant 0.00999999977 : f32
    %mul3A_99 = vector.broadcast %mul3A_98 : f32 to vector<5000x256xf32>
    %mul3A_100 = arith.mulf %mul3A_99, %add3A_94 : vector<5000x256xf32>
    %select_n3A_101 = arith.select %ge3A_97, %add3A_94, %mul3A_100 : vector<5000x256xi1>, vector<5000x256xf32>
    %swap3A = arith.constant 0 : index
    %swap3A_102 = arith.constant 0 : index
    %swap3A_103 = vector.load %arg14[%swap3A, %swap3A_102] : memref<5000x256xf32, #tpu.memory_space<vmem>>, vector<5000x256xf32>
    tpu.vector_store %arg14[%swap3A, %swap3A_102], %select_n3A_101 {strides = array<i32>} : memref<5000x256xf32, #tpu.memory_space<vmem>>, vector<5000x256xf32>,
    return
  }
  func.func @transform_0(%arg0: i32) -> (i32, i32) {
    %c0_i32 = arith.constant 0 : i32
    %c0_i32_0 = arith.constant 0 : i32
    return %arg0, %c0_i32 : i32, i32
  }
  func.func @transform_1(%arg0: i32) -> (i32, i32) {
    %c0_i32 = arith.constant 0 : i32
    %c0_i32_0 = arith.constant 0 : i32
    return %arg0, %c0_i32 : i32, i32
  }
  func.func @transform_2(%arg0: i32) -> (i32, i32) {
    %c0_i32 = arith.constant 0 : i32
    %c0_i32_0 = arith.constant 0 : i32
    return %arg0, %c0_i32 : i32, i32
  }
  func.func @transform_3(%arg0: i32) -> (i32, i32) {
    %c0_i32 = arith.constant 0 : i32
    %c0_i32_0 = arith.constant 0 : i32
    %c0_i32_1 = arith.constant 0 : i32
    return %c0_i32, %c0_i32_0 : i32, i32
  }
  func.func @transform_4(%arg0: i32) -> (i32, i32) {
    %c0_i32 = arith.constant 0 : i32
    %c0_i32_0 = arith.constant 0 : i32
    %c0_i32_1 = arith.constant 0 : i32
    return %c0_i32, %c0_i32_0 : i32, i32
  }
  func.func @transform_5(%arg0: i32) -> (i32, i32) {
    %c0_i32 = arith.constant 0 : i32
    %c0_i32_0 = arith.constant 0 : i32
    %c0_i32_1 = arith.constant 0 : i32
    return %c0_i32, %c0_i32_0 : i32, i32
  }
  func.func @transform_6(%arg0: i32) -> (i32, i32) {
    %c0_i32 = arith.constant 0 : i32
    %c0_i32_0 = arith.constant 0 : i32
    %c0_i32_1 = arith.constant 0 : i32
    return %c0_i32, %c0_i32_0 : i32, i32
  }
  func.func @transform_7(%arg0: i32) -> (i32, i32) {
    %c0_i32 = arith.constant 0 : i32
    %c0_i32_0 = arith.constant 0 : i32
    %c0_i32_1 = arith.constant 0 : i32
    return %c0_i32, %c0_i32_0 : i32, i32
  }
  func.func @transform_8(%arg0: i32) -> (i32, i32) {
    %c0_i32 = arith.constant 0 : i32
    %c0_i32_0 = arith.constant 0 : i32
    %c0_i32_1 = arith.constant 0 : i32
    return %c0_i32, %c0_i32_0 : i32, i32
  }
  func.func @transform_9(%arg0: i32) -> (i32, i32) {
    %c0_i32 = arith.constant 0 : i32
    %c0_i32_0 = arith.constant 0 : i32
    %c0_i32_1 = arith.constant 0 : i32
    return %c0_i32, %c0_i32_0 : i32, i32
  }
  func.func @transform_10(%arg0: i32) -> (i32, i32) {
    %c0_i32 = arith.constant 0 : i32
    %c0_i32_0 = arith.constant 0 : i32
    %c0_i32_1 = arith.constant 0 : i32
    return %c0_i32, %c0_i32_0 : i32, i32
  }
  func.func @transform_11(%arg0: i32) -> (i32, i32) {
    %c0_i32 = arith.constant 0 : i32
    %c0_i32_0 = arith.constant 0 : i32
    %c0_i32_1 = arith.constant 0 : i32
    return %c0_i32, %c0_i32_0 : i32, i32
  }
  func.func @transform_12(%arg0: i32) -> (i32, i32) {
    %c0_i32 = arith.constant 0 : i32
    %c0_i32_0 = arith.constant 0 : i32
    %c0_i32_1 = arith.constant 0 : i32
    return %c0_i32, %c0_i32_0 : i32, i32
  }
  func.func @transform_13(%arg0: i32) -> (i32, i32) {
    %c0_i32 = arith.constant 0 : i32
    %c0_i32_0 = arith.constant 0 : i32
    return %arg0, %c0_i32 : i32, i32
  }
}

</mosaic_0001>

<sc_bundles>
// kernel: kernel.5.cloned.1.call-start
scs
__scs_entry_jumppad:
0x0: {  	(pc) =	sbr.rel $0x88, $3  }
0x1: {  	(tag) =	ssettag $0x0;
	lr =	simm.s32 $0x1  }
0x2: {  	[smem:$0x3F8F] =	sst lr;
	_ =	strace $0xD0000000  }
0x3: {  	_ = 	snop  }
0x4: {  	_ = 	snop  }
0x5: {  	_ = 	snop  }
0x6: {  	_ = 	snop  }
0x7: {  	_ = 	snop  }
__scs_overlays_trampoline_lowered:
0x8: {  	[smem:$0x3F9E] =	sst s0  }
0x9: {  	[smem:$0x3F9F] =	sst s1  }
0xa: {  	[smem:$0x3FA0] =	sst s2  }
0xb: {  	[smem:$0x3FA1] =	sst s3  }
0xc: {  	[smem:$0x3FA2] =	sst s4  }
0xd: {  	[smem:$0x3FA3] =	sst s5  }
0xe: {  	[smem:$0x3FA4] =	sst s6  }
0xf: {  	[smem:$0x3FA5] =	sst s7  }
0x10: {  	[smem:$0x3FA6] =	sst s8  }
0x11: {  	[smem:$0x3FA7] =	sst s9;
	s0 =	simm.s32 @!p0 $0x0  }
0x12: {  	s1 =	sld [smem:$0x3F8D];
	s0 =	simm.s32 @p0 $0x1  }
0x13: {  	[smem:$0x3FA8] =	sst s0;
	s0 =	simm.s32 @!p1 $0x0  }
0x14: {  	s2 =	sld [smem:$0x3F8C];
	s0 =	simm.s32 @p1 $0x1  }
0x15: {  	[smem:$0x3FA9] =	sst s0;
	s0 =	simm.s32 @!p2 $0x0  }
0x16: {  	s3 =	sld [smem:$0x3FDB];
	s0 =	simm.s32 @p2 $0x1  }
0x17: {  	s4 =	simm.s32 $0x1BF5;
	[smem:$0x3FAB] =	sst s0  }
0x18: {  	s0 =	sld [smem:$0x3F8E];
	_ =	swait.ge [sflag:s4], $0x0  }
0x19: {  	s7 =	sld [smem:$0x3F8F]  }
0x1a: {  	s8 =	sadd.s32 $0xFFFFE003, lr  }
0x1b: {  	s9 =	sadd.s32 $0xFFFFFEF7, lr;
	s5 =	simm.s32 $0xFFFFFFFF;
	p2 =	slt.u32 s8, $0xFFFFF086  }
0x1c: {  	p1 =	slt.u32 s9, $0xF7A;
	s5 =	simm.s32 @!p2 $0x0  }
0x1d: {  	s5 =	simm.s32 @p1 $0x1;
	p0 =	seq.s32 s7, s2  }
0x1e: {  	s7 =	smul.u32 @!p0 $0xF7A, s2;
	p2 =	seq.s32 @!p0 s5, $0x0  }
0x1f: {  	s9 =	smul.u32 $0xF7A, s1;
	s8 =	simm.s32 @!p0 $0x1BF5;
	p2 =	por !p2, p0  }
0x20: {  	[sflag:s8] =	ssyncset.s32 @!p0 $0xFFFFF086;
	s6 =	sadd.s32 @!p0 s3, s7;
	s7 =	simm.s32 @!p0 $0x108  }
0x21: {  	s3 =	sadd.s32 s3, s9;
	s6 =	sadd.s32 @!p0 $0x88, s6;
	s7 =	simm.s32 @p2 $0x1082  }
0x22: {  	[simem:s7], [sflag:s8] =	dma.local @!p0 [hbm:s6], $0xF7A  }
0x23: {  	s9 =	sor.u32 $0xD0000000, s2;
	s6 =	simm.s32 $0x108;
	_ =	swait.ge @!p0 [sflag:s8], $0x0  }
0x24: {  	s3 =	sadd.s32 $0x88, s3;
	s6 =	simm.s32 @!p1 $0x1082;
	[sflag:s4] =	ssyncset.s32 $0xFFFFF086  }
0x25: {  	[simem:s6], [sflag:s4] =	dma.local [hbm:s3], $0xF7A  }
0x26: {  	[smem:$0x3F8F] =	sst s1;
	(tag) =	ssettag s2;
	_ =	strace s9  }
0x27: {  	s1 =	sld [smem:$0x3F9F]  }
0x28: {  	s2 =	sld [smem:$0x3FA0]  }
0x29: {  	s4 =	sld [smem:$0x3FA2]  }
0x2a: {  	p0 =	seq.s32 s5, $0x0;
	s5 =	sld [smem:$0x3FA3]  }
0x2b: {  	s6 =	sld [smem:$0x3FA4]  }
0x2c: {  	s7 =	sld [smem:$0x3FA5]  }
0x2d: {  	s3 =	simm.s32 $0x108;
	s8 =	sld [smem:$0x3FA6]  }
0x2e: {  	s3 =	simm.s32 @!p0 $0x1082;
	s9 =	sld [smem:$0x3FA7]  }
0x2f: {  	lr =	sadd.s32 s0, s3;
	s0 =	sld [smem:$0x3F9E]  }
0x30: {  	s3 =	sld [smem:$0x3FA1]  }
0x31: {  	[smem:$0x3FAA] =	sst s10  }
0x32: {  	s10 =	sld [smem:$0x3FA8];
	_ =	sdelay $0x3  }
0x33: {  	p0 =	seq.s32 s10, $0x1;
	s10 =	sld [smem:$0x3FAA];
	_ =	sdelay $0x3  }
0x34: {  	[smem:$0x3FAA] =	sst s10  }
0x35: {  	s10 =	sld [smem:$0x3FA9];
	_ =	sdelay $0x3  }
0x36: {  	p1 =	seq.s32 s10, $0x1;
	s10 =	sld [smem:$0x3FAA];
	_ =	sdelay $0x3  }
0x37: {  	[smem:$0x3FAA] =	sst s10  }
0x38: {  	s10 =	sld [smem:$0x3FAB]  }
0x39: {  	_ = 	snop;
	(pc) =	sbr.ind lr, $3  }
0x3a: {  	_ = 	snop  }
0x3b: {  	_ = 	snop  }
0x3c: {  	p2 =	seq.s32 s10, $0x1;
	s10 =	sld [smem:$0x3FAA]  }
0x3d: {  	_ =	shalt  }
0x3e: {  	_ =	shalt  }
0x3f: {  	_ =	shalt  }
0x40: {  	_ =	shalt  }
0x41: {  	_ =	shalt  }
0x42: {  	_ =	shalt  }
0x43: {  	_ =	shalt  }
0x44: {  	_ =	shalt  }
0x45: {  	_ =	shalt  }
0x46: {  	_ =	shalt  }
0x47: {  	_ =	shalt  }
0x48: {  	_ =	shalt  }
0x49: {  	_ =	shalt  }
0x4a: {  	_ =	shalt  }
0x4b: {  	_ =	shalt  }
0x4c: {  	_ =	shalt  }
0x4d: {  	_ =	shalt  }
0x4e: {  	_ =	shalt  }
0x4f: {  	_ =	shalt  }
0x50: {  	_ =	shalt  }
0x51: {  	_ =	shalt  }
0x52: {  	_ =	shalt  }
0x53: {  	_ =	shalt  }
0x54: {  	_ =	shalt  }
0x55: {  	_ =	shalt  }
0x56: {  	_ =	shalt  }
0x57: {  	_ =	shalt  }
0x58: {  	_ =	shalt  }
0x59: {  	_ =	shalt  }
0x5a: {  	_ =	shalt  }
0x5b: {  	_ =	shalt  }
0x5c: {  	_ =	shalt  }
0x5d: {  	_ =	shalt  }
0x5e: {  	_ =	shalt  }
0x5f: {  	_ =	shalt  }
0x60: {  	_ =	shalt  }
0x61: {  	_ =	shalt  }
0x62: {  	_ =	shalt  }
0x63: {  	_ =	shalt  }
0x64: {  	_ =	shalt  }
0x65: {  	_ =	shalt  }
0x66: {  	_ =	shalt  }
0x67: {  	_ =	shalt  }
0x68: {  	_ =	shalt  }
0x69: {  	_ =	shalt  }
0x6a: {  	_ =	shalt  }
0x6b: {  	_ =	shalt  }
0x6c: {  	_ =	shalt  }
0x6d: {  	_ =	shalt  }
0x6e: {  	_ =	shalt  }
0x6f: {  	_ =	shalt  }
0x70: {  	_ =	shalt  }
0x71: {  	_ =	shalt  }
0x72: {  	_ =	shalt  }
0x73: {  	_ =	shalt  }
0x74: {  	_ =	shalt  }
0x75: {  	_ =	shalt  }
0x76: {  	_ =	shalt  }
0x77: {  	_ =	shalt  }
0x78: {  	_ =	shalt  }
0x79: {  	_ =	shalt  }
0x7a: {  	_ =	shalt  }
0x7b: {  	_ =	shalt  }
0x7c: {  	_ =	shalt  }
0x7d: {  	_ =	shalt  }
0x7e: {  	_ =	shalt  }
0x7f: {  	_ =	shalt  }
0x80: {  	_ =	shalt  }
0x81: {  	_ =	shalt  }
0x82: {  	_ =	shalt  }
0x83: {  	_ =	shalt  }
0x84: {  	_ =	shalt  }
0x85: {  	_ =	shalt  }
0x86: {  	_ =	shalt  }
0x87: {  	_ =	shalt  }
.Lfunc_end0:
.L_simem_size_0:
called_computation_lowered:
.L_overlay_start_0:
0x88: {  	s2 =	sld [smem:$0x3FD9]  }
0x89: {  	s3 =	sld [smem:$0x3FFE];
	_ =	sdelay $0x1  }
0x8a: {  	s1 =	srdreg.scid  }
0x8b: {  	s0 =	sand.u32 $0x1, s1  }
0x8c: {  	s17 =	sshll.u32 s0, $0xA;
	s2 =	sadd.s32 s3, s2  }
0x8d: {  	s2 =	sadd.s32 s2, s17  }
0x8e: {  	[smem:$0x3FB6] =	sst s2  }
0x8f: {  	_ = 	snop  }
0x90: {  	s2 =	sld [smem:$0x3FD0];
	(tm) =	ssettm $0x1  }
0x91: {  	s18 =	sld [smem:$0x3FFB];
	_ =	sdelay $0x3  }
0x92: {  	_ =	strace s18  }
0x93: {  	s3 =	sld [smem:$0x3FFC];
	_ =	sdelay $0x3  }
0x94: {  	_ =	strace s3  }
0x95: {  	s3 =	sld [smem:$0x3FFD];
	_ =	sdelay $0x3  }
0x96: {  	_ =	strace s3  }
0x97: {  	_ =	strace $0x8FFFFFFF  }
0x98: {  	s19 =	sld [smem:$0x3FDB];
	_ =	sdelay $0x1  }
0x99: {  	s4 =	simm.s32 $_scs_section_size  }
0x9a: {  	s5 =	simm.s32 $_size__tile_overlayer_lowered;
	s6 =	simm.s32 $_tile_overlayer_lowered  }
0x9b: {  	s22 =	simm.s32 $0x1BFF;
	s21 =	sshll.u32 s6, $0x1;
	s3 =	sadd.s32 s4, s19  }
0x9c: {  	s7 =	simm.s32 $0x0;
	s20 =	sshll.u32 s5, $0x1;
	s5 =	sadd.s32 s21, s3  }
0x9d: {  	[timem:s7], [sflag:s22] =	dma.local [hbm:s5], s20  }
0x9e: {  	_ =	swait.ge [sflag:s22], s20  }
0x9f: {  	s4 =	ssub.s32 $0x0, s20;
	[sflag:s22] =	ssyncset.done $0x0  }
0xa0: {  	[sflag:s22] =	ssyncadd.s32 s4;
	_ =	sdelay $0x1  }
0xa1: {  	s23 =	simm.s32 $0x1B8B  }
0xa2: {  	_ =	swait.ge [sflag:s23], $0x1  }
0xa3: {  	[sflag:s23] =	ssyncset.done $0x0  }
0xa4: {  	s25 =	simm.s32 $0x1B8E;
	s24 =	sld [smem:$0x3FFE];
	[sflag:s23] =	ssyncadd.s32 $0xFFFFFFFF  }
0xa5: {  	s26 =	simm.s32 $execute0_lowered;
	[smem:$0x3FD2] =	sst s25  }
0xa6: {  	s5 =	sshll.u32 s26, $0x1;
	_ =	strace $0x80000046;
	[dreg:$0x1] =	wrdreg $0xFFFFFFFF  }
0xa7: {  	s28 =	simm.s32 $_size_execute0_lowered;
	s3 =	sadd.s32 s3, s5;
	[dreg:$0x0] =	wrdreg $0x0  }
0xa8: {  	s5 =	sshll.u32 s28, $0x1;
	[dreg:$0x2] =	wrdreg s3  }
0xa9: {  	[dreg:$0x3] =	wrdreg s5  }
0xaa: {  	[dreg:$0x4] =	wrdreg $0xC0  }
0xab: {  	_ =	task [dreg:s7], $0x5FFFF  }
0xac: {  	[dreg:$0x1] =	wrdreg $0xFFFFFFFF  }
0xad: {  	[dreg:$0x0] =	wrdreg $0x60  }
0xae: {  	[dreg:$0x2] =	wrdreg s24  }
0xaf: {  	[dreg:$0x3] =	wrdreg s2  }
0xb0: {  	[dreg:$0x4] =	wrdreg $0x0  }
0xb1: {  	[dreg:$0x5] =	wrdreg $0x9  }
0xb2: {  	_ =	task.clear_ibuf [dreg:s7], $0x6FFFF;
	_ =	strace $0x90000046  }
0xb3: {  	s29 =	simm.s32 $0x9;
	_ =	strace $0x80000048  }
0xb4: {  	_ =	swait.ge [sflag:s29], $0x1  }
0xb5: {  	[sflag:s29] =	ssyncadd.s32 $0xFFFFFFFF  }
0xb6: {  	_ =	strace $0x90000048  }
0xb7: {  	_ =	sfence  }
0xb8: {  	s30 =	sld [smem:$0x0];
	_ =	sdelay $0x2  }
0xb9: {  	s31 =	sshll.u32 s1, $0xD;
	s1 =	sshrl.u32 s1, $0x2  }
0xba: {  	s3 =	sand.u32 $0x4000, s31;
	s1 =	sadd.s32 s1, s30  }
0xbb: {  	s0 =	sor.u32 s3, s0;
	s1 =	sshll.u32 s1, $0x11  }
0xbc: {  	s0 =	sor.u32 s1, s0  }
0xbd: {  	s0 =	sadd.s32 $0x8F2B, s0  }
0xbe: {  	[sflag:s0] =	ssyncadd.remote.s32 $0x1  }
0xbf: {  	_ =	sfence.sel $0xFFFF  }
0xc0: {  	[dreg:$0x0] =	wrdreg $0xFFFFFFFF;
	(pc) =	sbr.abs _section_cstart, $3  }
0xc1: {  	[dreg:$0x1] =	wrdreg $0xFFFFFFFF  }
0xc2: {  	_ =	task.clear_ibuf [dreg:s7], $0x2FFFF;
	_ =	strace $0x9FFFFFFF  }
0xc3: {  	(tm) =	ssettm $0x7FFFFFFF  }
tec
execute0_lowered:
.L_overlay_start_1:
0x0: {  	(tag) =	ssettag $0x1  }
0x1: {  	s0 =	rddreg [dreg:$0x0]  }
0x2: {  	s1 =	rddreg [dreg:$0x1]  }
0x3: {  	s2 =	rddreg [dreg:$0x2];
	s4 =	simm.s32 $0x0  }
0x4: {  	s3 =	srdreg.scid;
	s18 =	simm.s32 $0x13900;
	s19 =	simm.s32 $0x13A00  }
0x5: {  	s20 =	simm.s32 $0x3;
	s21 =	simm.s32 $0x70;
	s28 =	simm.s32 $0x1  }
0x6: {  	s30 =	simm.s32 $0x2;
	s31 =	simm.s32 $0x0;
	[smem:$0x7FF] =	sst s4  }
0x7: {  	s29 =	sand.u32 $0x1, s3;
	s3 =	stileid.u32;
	s5 =	sadd.s32 $0x3000, s0  }
0x8: {  	s6 =	sadd.s32 $0x9000, s0;
	s15 =	sadd.s32 $0x138800, s2;
	s8 =	smul.u32 $0x138800, s29  }
0x9: {  	s7 =	sadd.s32 $0xF000, s0;
	_ =	strace $0x80000047;
	s9 =	smul.u32 $0x1F400, s3  }
0xa: {  	s22 =	ssub.s32 $0x2, s29;
	s10 =	smul.u32 $0x7D000, s3;
	p0 =	sgt.u32 s3, $0x9  }
0xb: {  	v0 =	vmov s29;
	s29 =	simm.s32 $0x5;
	s12 =	sshrl.u32 s22, $0x1;
	p1 =	sne.s32 @p0 s3, $0xA  }
0xc: {  	s8 =	sadd.s32 s9, s8;
	s14 =	ssub.s32 s22, s12;
	s23 =	sshrl.u32 s10, $0x2  }
0xd: {  	p1 =	por p1, !p0;
	s22 =	simm.s32 $0x13B00;
	s11 =	sshrl.u32 s8, $0x3  }
0xe: {  	s8 =	smul.u32 $0x3000, s3;
	s17 =	sadd.s32 s23, s2;
	s14 =	smax.u32 s14, $0x1  }
0xf: {  	s15 =	sshrl.u32 @!p1 s15, $0x3;
	s23 =	simm.s32 $0x13980;
	s0 =	sadd.s32 s11, s0  }
.Ltmp0:
0x10: {  	s17 =	sshrl.u32 @!p0 s17, $0x3;
	s24 =	sshrl.u32 s8, $0x3;
	(pc) =	sbr.rel .LBB2_1-.Ltmp0, $4  }
0x11: {  	s13 =	sadd.s32 $0x13000, s0;
	s0 =	sshll.u32 @!p0 s3, $0x6;
	s25 =	sadd.s32 s5, s24  }
0x12: {  	s26 =	sor.u32 $0x10, s24;
	s10 =	sadd.s32 s6, s24;
	s16 =	sor.u32 @!p0 $0x1C05, s0  }
0x13: {  	s24 =	simm.s32 $0x13A80;
	[dreg:$0x4] =	wrdreg s25;
	s11 =	sadd.s32 s5, s26  }
0x14: {  	s12 =	sadd.s32 s6, s26;
	s25 =	simm.s32 $0x4;
	s26 =	simm.s32 $0x17300  }
.LBB2_4:
0x15: {  	_ =	swait.ge [sflag:s30], $0x3800  }
0x16: {  	[sflag:s30] =	ssyncset.done $0x0  }
0x17: {  	[sflag:s30] =	ssyncadd.s32 $0xFFFFC800  }
0x18: {  	[spmem:s2] =	stream.indirect.scatter.add.f32 [tilespmem:s26], [sflag:$0x5], $0x80, s24, s21, $0xb8;
	[tilespmem:$0x1AB00] =	vst v63  }
0x19: {  	_ =	swait.ge [sflag:s29], $0x3800  }
0x1a: {  	s31 =	sadd.s32 $0x1, s31;
	[sflag:s29] =	ssyncset.done $0x0  }
0x1b: {  	p2 =	sne.s32 s31, s14;
	[sflag:s29] =	ssyncadd.s32 $0xFFFFC800  }
.Ltmp1:
0x1c: {  	s0 =	simm.s32 @!p0 $0x5;
	[bflag:$0x0] =	sbarrier.arrive $0xFFFF;
	(pc) =	sbr.rel @!p2 .LBB2_5-.Ltmp1, $4  }
0x1d: {  	[hbm:s13], [sflag:s16] =	dma.local @!p0 [spmem:s17], $0x3E80  }
0x1e: {  	_ =	swait.ge @!p0 [sflag:s0], $0x3E80  }
0x1f: {  	[sflag:s0] =	ssyncset.done @!p0 $0x0  }
0x20: {  	[sflag:s0] =	ssyncadd.s32 @!p0 $0xFFFFC180  }
.LBB2_1:
0x21: {  	s0 =	simm.s32 @!p1 $0x1E85  }
0x22: {  	[spmem:s15], [sflag:s0] =	dma.local @!p1 [hbm:s7], $0x100  }
0x23: {  	s0 =	simm.s32 @!p1 $0x5  }
0x24: {  	_ =	swait.ge @!p1 [sflag:s0], $0x100  }
0x25: {  	[sflag:s0] =	ssyncset.done @!p1 $0x0  }
0x26: {  	[sflag:s0] =	ssyncadd.s32 @!p1 $0xFFFFFF00;
	s0 =	simm.s32 @!p0 $0x5  }
0x27: {  	[spmem:s17], [sflag:s16] =	dma.local @!p0 [hbm:s7], $0x3E80  }
0x28: {  	_ =	swait.ge @!p0 [sflag:s0], $0x3E80  }
0x29: {  	[sflag:s0] =	ssyncset.done @!p0 $0x0  }
0x2a: {  	[sflag:s0] =	ssyncadd.s32 @!p0 $0xFFFFC180  }
0x2b: {  	[bflag:$0x0] =	sbarrier.arrive $0xFFFF  }
0x2c: {  	s9 =	rddreg [dreg:$0x4]  }
0x2d: {  	[tilespmem:s18], [sflag:$0x3] =	stream.linear.gather [hbm4b:s9+s4], $0x80, $0x38;
	[tilespmem:$0x1AB00] =	vst v63  }
0x2e: {  	_ = 	snop  }
0x2f: {  	[tilespmem:s19], [sflag:$0x3] =	stream.linear.gather [hbm4b:s10+s4], $0x80, $0x38;
	[tilespmem:$0x1AB00] =	vst v63  }
0x30: {  	_ =	swait.ge [sflag:s20], $0x80  }
0x31: {  	[sflag:s20] =	ssyncset.done $0x0  }
0x32: {  	[sflag:s20] =	ssyncadd.s32 $0xFFFFFF80  }
0x33: {  	_ =	swait.ge [sflag:s20], $0x80  }
0x34: {  	[sflag:s20] =	ssyncset.done $0x0  }
0x35: {  	[sflag:s20] =	ssyncadd.s32 $0xFFFFFF80  }
0x36: {  	v1 =	vld [tilespmem:$0x13900]  }
0x37: {  	v2 =	vld [tilespmem:$0x13910]  }
0x38: {  	v3 =	vld [tilespmem:$0x13920]  }
0x39: {  	v4 =	vld [tilespmem:$0x13930]  }
0x3a: {  	v5 =	vld [tilespmem:$0x13940]  }
0x3b: {  	v6 =	vld [tilespmem:$0x13950];
	v1 =	vshll.u32 v1, $0x1  }
0x3c: {  	v7 =	vld [tilespmem:$0x13960];
	v2 =	vshll.u32 v2, $0x1;
	v1 =	vor.u32 v0, v1  }
0x3d: {  	[tilespmem:$0x13900] =	vst v1;
	v1 =	vor.u32 v0, v2;
	v2 =	vshll.u32 v3, $0x1  }
0x3e: {  	[tilespmem:$0x13910] =	vst v1;
	v1 =	vor.u32 v0, v2;
	v2 =	vshll.u32 v4, $0x1  }
0x3f: {  	[tilespmem:$0x13920] =	vst v1;
	v1 =	vor.u32 v0, v2;
	v2 =	vshll.u32 v5, $0x1  }
0x40: {  	[tilespmem:$0x13930] =	vst v1;
	v1 =	vor.u32 v0, v2;
	v2 =	vshll.u32 v6, $0x1  }
0x41: {  	[tilespmem:$0x13940] =	vst v1;
	v1 =	vor.u32 v0, v2;
	v2 =	vshll.u32 v7, $0x1  }
0x42: {  	[tilespmem:$0x13950] =	vst v1;
	v1 =	vor.u32 v0, v2  }
0x43: {  	[tilespmem:$0x13960] =	vst v1  }
0x44: {  	[tilespmem:s22], [sflag:$0x1] =	stream.indirect.gather [hbm4b:s1+s21], $0x80, s18, s21, $0xb8;
	[tilespmem:$0x1AB00] =	vst v63  }
0x45: {  	_ = 	snop  }
0x46: {  	[tilespmem:s23], [sflag:$0x4] =	stream.linear.gather [hbm4b:s11+s4], $0x80, $0x38;
	[tilespmem:$0x1AB00] =	vst v63  }
0x47: {  	s0 =	simm.s32 $0x180  }
0x48: {  	[tilespmem:s24], [sflag:$0x4] =	stream.linear.gather [hbm4b:s12+s4], $0x80, $0x38;
	[tilespmem:$0x1AB00] =	vst v63  }
.LBB2_2:
0x49: {  	_ =	swait.ge [sflag:s25], $0x80  }
0x4a: {  	[sflag:s25] =	ssyncset.done $0x0  }
0x4b: {  	[sflag:s25] =	ssyncadd.s32 $0xFFFFFF80  }
0x4c: {  	_ =	swait.ge [sflag:s25], $0x80  }
0x4d: {  	[sflag:s25] =	ssyncset.done $0x0  }
0x4e: {  	[sflag:s25] =	ssyncadd.s32 $0xFFFFFF80  }
0x4f: {  	v1 =	vld [tilespmem:$0x13980]  }
0x50: {  	v2 =	vld [tilespmem:$0x13990]  }
0x51: {  	v3 =	vld [tilespmem:$0x139A0]  }
0x52: {  	v4 =	vld [tilespmem:$0x139B0]  }
0x53: {  	v5 =	vld [tilespmem:$0x139C0]  }
0x54: {  	v6 =	vld [tilespmem:$0x139D0];
	v1 =	vshll.u32 v1, $0x1  }
0x55: {  	v7 =	vld [tilespmem:$0x139E0];
	v2 =	vshll.u32 v2, $0x1;
	v1 =	vor.u32 v0, v1  }
0x56: {  	[tilespmem:$0x13980] =	vst v1;
	v1 =	vor.u32 v0, v2;
	v2 =	vshll.u32 v3, $0x1  }
0x57: {  	[tilespmem:$0x13990] =	vst v1;
	v1 =	vor.u32 v0, v2;
	v2 =	vshll.u32 v4, $0x1  }
0x58: {  	[tilespmem:$0x139A0] =	vst v1;
	v1 =	vor.u32 v0, v2;
	v2 =	vshll.u32 v5, $0x1  }
0x59: {  	[tilespmem:$0x139B0] =	vst v1;
	v1 =	vor.u32 v0, v2;
	v2 =	vshll.u32 v6, $0x1  }
0x5a: {  	[tilespmem:$0x139C0] =	vst v1;
	v1 =	vor.u32 v0, v2;
	v2 =	vshll.u32 v7, $0x1  }
0x5b: {  	[tilespmem:$0x139D0] =	vst v1;
	v1 =	vor.u32 v0, v2  }
0x5c: {  	[tilespmem:$0x139E0] =	vst v1  }
0x5d: {  	[tilespmem:s26], [sflag:$0x2] =	stream.indirect.gather [hbm4b:s1+s21], $0x80, s23, s21, $0xb8;
	[tilespmem:$0x1AB00] =	vst v63  }
0x5e: {  	_ =	swait.ge [sflag:s28], $0x3800  }
0x5f: {  	p2 =	seq.s32 s0, $0x2D80;
	[sflag:s28] =	ssyncset.done $0x0  }
.Ltmp2:
0x60: {  	[sflag:s28] =	ssyncadd.s32 $0xFFFFC800;
	(pc) =	sbr.rel @p2 .LBB2_4-.Ltmp2, $4  }
0x61: {  	[spmem:s2] =	stream.indirect.scatter.add.f32 [tilespmem:s22], [sflag:$0x5], $0x80, s19, s21, $0xb8;
	[tilespmem:$0x1AB00] =	vst v63  }
0x62: {  	_ =	swait.ge [sflag:s29], $0x3800  }
0x63: {  	[sflag:s29] =	ssyncset.done $0x0  }
0x64: {  	[sflag:s29] =	ssyncadd.s32 $0xFFFFC800  }
0x65: {  	s3 =	sadd.s32 $0xFFFFFF80, s0  }
0x66: {  	s9 =	sand.u32 $0x7C00, s3  }
0x67: {  	s3 =	sand.u32 $0x300, s3;
	s9 =	sadd.s32 s8, s9  }
0x68: {  	s3 =	sor.u32 s3, s9  }
0x69: {  	s3 =	sshrl.u32 s3, $0x3  }
0x6a: {  	s9 =	sadd.s32 s5, s3  }
0x6b: {  	[tilespmem:s18], [sflag:$0x3] =	stream.linear.gather [hbm4b:s9+s4], $0x80, $0x38;
	[tilespmem:$0x1AB00] =	vst v63  }
0x6c: {  	s3 =	sadd.s32 s6, s3  }
0x6d: {  	[tilespmem:s19], [sflag:$0x3] =	stream.linear.gather [hbm4b:s3+s4], $0x80, $0x38;
	[tilespmem:$0x1AB00] =	vst v63  }
0x6e: {  	_ =	swait.ge [sflag:s20], $0x80  }
0x6f: {  	[sflag:s20] =	ssyncset.done $0x0  }
0x70: {  	[sflag:s20] =	ssyncadd.s32 $0xFFFFFF80  }
0x71: {  	_ =	swait.ge [sflag:s20], $0x80  }
0x72: {  	[sflag:s20] =	ssyncset.done $0x0  }
0x73: {  	[sflag:s20] =	ssyncadd.s32 $0xFFFFFF80  }
0x74: {  	v1 =	vld [tilespmem:$0x13900]  }
0x75: {  	v2 =	vld [tilespmem:$0x13910]  }
0x76: {  	v3 =	vld [tilespmem:$0x13920]  }
0x77: {  	v4 =	vld [tilespmem:$0x13930]  }
0x78: {  	v5 =	vld [tilespmem:$0x13940]  }
0x79: {  	v6 =	vld [tilespmem:$0x13950];
	v1 =	vshll.u32 v1, $0x1  }
0x7a: {  	v7 =	vld [tilespmem:$0x13960];
	v2 =	vshll.u32 v2, $0x1;
	v1 =	vor.u32 v0, v1  }
0x7b: {  	[tilespmem:$0x13900] =	vst v1;
	v1 =	vor.u32 v0, v2;
	v2 =	vshll.u32 v3, $0x1  }
0x7c: {  	[tilespmem:$0x13910] =	vst v1;
	v1 =	vor.u32 v0, v2;
	v2 =	vshll.u32 v4, $0x1  }
0x7d: {  	[tilespmem:$0x13920] =	vst v1;
	v1 =	vor.u32 v0, v2;
	v2 =	vshll.u32 v5, $0x1  }
0x7e: {  	[tilespmem:$0x13930] =	vst v1;
	v1 =	vor.u32 v0, v2;
	v2 =	vshll.u32 v6, $0x1  }
0x7f: {  	[tilespmem:$0x13940] =	vst v1;
	v1 =	vor.u32 v0, v2;
	v2 =	vshll.u32 v7, $0x1  }
0x80: {  	[tilespmem:$0x13950] =	vst v1;
	v1 =	vor.u32 v0, v2  }
0x81: {  	[tilespmem:$0x13960] =	vst v1  }
0x82: {  	[tilespmem:s22], [sflag:$0x1] =	stream.indirect.gather [hbm4b:s1+s21], $0x80, s18, s21, $0xb8;
	[tilespmem:$0x1AB00] =	vst v63  }
0x83: {  	_ =	swait.ge [sflag:s30], $0x3800  }
0x84: {  	s9 =	sand.u32 $0x7C00, s0;
	[sflag:s30] =	ssyncset.done $0x0  }
0x85: {  	s3 =	sadd.s32 s8, s9;
	s9 =	sand.u32 $0x380, s0;
	[sflag:s30] =	ssyncadd.s32 $0xFFFFC800  }
0x86: {  	[spmem:s2] =	stream.indirect.scatter.add.f32 [tilespmem:s26], [sflag:$0x5], $0x80, s24, s21, $0xb8;
	[tilespmem:$0x1AB00] =	vst v63  }
0x87: {  	s3 =	sor.u32 s9, s3;
	_ =	swait.ge [sflag:s29], $0x3800  }
.Ltmp3:
0x88: {  	s3 =	sshrl.u32 s3, $0x3;
	[sflag:s29] =	ssyncset.done $0x0;
	(pc) =	sbr.rel .LBB2_2-.Ltmp3, $4  }
0x89: {  	s9 =	sadd.s32 s5, s3;
	[sflag:s29] =	ssyncadd.s32 $0xFFFFC800  }
0x8a: {  	[tilespmem:s23], [sflag:$0x4] =	stream.linear.gather [hbm4b:s9+s4], $0x80, $0x38;
	[tilespmem:$0x1AB00] =	vst v63  }
0x8b: {  	s0 =	sadd.s32 $0x100, s0;
	s3 =	sadd.s32 s6, s3  }
0x8c: {  	[tilespmem:s24], [sflag:$0x4] =	stream.linear.gather [hbm4b:s3+s4], $0x80, $0x38;
	[tilespmem:$0x1AB00] =	vst v63  }
.LBB2_5:
0x8d: {  	_ =	sfence.sel $0x180000  }
0x8e: {  	[bflag:$0x0] =	sbarrier.arrive $0xFFFF  }
0x8f: {  	_ =	strace $0x90000047  }
0x90: {  	s0 =	stileid.u32;
	[bflag:$0x2] =	sbarrier.arrive $0xFFFF  }
0x91: {  	p0 =	sne.s32 s0, $0x0;
	s0 =	rddreg [dreg:$0x3]  }
0x92: {  	s0 =	sadd.s32 @!p0 $0x100000, s0  }
0x93: {  	[sflag:s0] =	ssyncadd.tile.s32 @!p0 $0x1;
	_ =	shalt  }
.Lfunc_end2:
_tile_overlayer_lowered:
.L_overlay_start_2:
0x94: {  	(tag) =	ssettag $0x2  }
0x95: {  	s0 =	rddreg [dreg:$0x0];
	s2 =	stileid.u32  }
0x96: {  	s1 =	rddreg [dreg:$0x1];
	p0 =	sne.s32 s2, $0x0  }
0x97: {  	s3 =	rddreg [dreg:$0x2];
	[bflag:$0x3] =	sbarrier.arrive $0xFFFF;
	s2 =	simm.s32 @!p0 $0x1C05  }
0x98: {  	[timem:s3], [sflag:s2] =	dma.local @!p0 [hbm:s0], s1  }
0x99: {  	s0 =	simm.s32 @!p0 $0x5  }
0x9a: {  	_ =	swait.ge @!p0 [sflag:s0], s1  }
0x9b: {  	s1 =	ssub.s32 @!p0 $0x0, s1;
	[sflag:s0] =	ssyncset.done @!p0 $0x0  }
0x9c: {  	[sflag:s0] =	ssyncadd.s32 @!p0 s1  }
0x9d: {  	[bflag:$0x3] =	sbarrier.arrive $0xFFFF  }
0x9e: {  	_ =	shalt  }

</sc_bundles>
